<compile_context>
chip_gen: v7x
topology: tpu7x:2x2x1
jax: 0.10.2.dev20260603
libtpu: 0.0.44.dev20260713+nightly
codegen_flags: <defaults>
</compile_context>

<pallas_src>
import jax
import jax.numpy as jnp
from jax import lax
from jax.experimental import pallas as pl
from jax.experimental.pallas import tpu as pltpu
from jax.experimental.pallas import tpu_sc as plsc

_NC = 2
_NS = 16
_NW = _NC * _NS

_CH = 80
_RB = 2000



def _prolog_body(x_ref, w1t_ref, b1_ref, lng_ref, lnb_ref,
                 inp0_ref, g_ref, invr_ref):
    h = jnp.dot(x_ref[...], w1t_ref[...],
                preferred_element_type=jnp.float32) + b1_ref[...]
    s = jnp.maximum(h, 0.0)
    m = jnp.mean(s, axis=1, keepdims=True)
    v = jnp.mean((s - m) ** 2, axis=1, keepdims=True)
    inp0 = (s - m) / jnp.sqrt(v + 1e-5) * lng_ref[...] + lnb_ref[...]
    r = jnp.sqrt(jnp.sum(inp0 * inp0, axis=1, keepdims=True))
    invr = 1.0 / (r + 1e-4)
    inp0_ref[...] = inp0
    g_ref[...] = inp0 * invr
    invr_ref[...] = invr


def _prolog(x, w1t, b1, lng, lnb):
    n, d = x.shape
    grid = (n // _RB,)
    row_spec = pl.BlockSpec((_RB, d), lambda i: (i, 0))
    full_spec = pl.BlockSpec((d, d), lambda i: (0, 0))
    vec_spec = pl.BlockSpec((1, d), lambda i: (0, 0))
    return pl.pallas_call(
        _prolog_body,
        grid=grid,
        in_specs=[row_spec, full_spec, vec_spec, vec_spec, vec_spec],
        out_specs=[row_spec, row_spec, pl.BlockSpec((_RB, 1), lambda i: (i, 0))],
        out_shape=[
            jax.ShapeDtypeStruct((n, d), jnp.float32),
            jax.ShapeDtypeStruct((n, d), jnp.float32),
            jax.ShapeDtypeStruct((n, 1), jnp.float32),
        ],
    )(x, w1t, b1, lng, lnb)


def _scale_body(d0_ref, d1_ref, g_ref, dinv_ref, gs_ref):
    deg = d0_ref[:, 0:1] + d1_ref[:, 0:1]
    dinv = jnp.where(deg > 0, 1.0 / jnp.sqrt(deg), 0.0)
    dinv_ref[...] = dinv
    gs_ref[...] = g_ref[...] * dinv


def _scale(d0, d1, g):
    n, d = g.shape
    grid = (n // _RB,)
    return pl.pallas_call(
        _scale_body,
        grid=grid,
        in_specs=[pl.BlockSpec((_RB, 8), lambda i: (i, 0)),
                  pl.BlockSpec((_RB, 8), lambda i: (i, 0)),
                  pl.BlockSpec((_RB, d), lambda i: (i, 0))],
        out_specs=[pl.BlockSpec((_RB, 1), lambda i: (i, 0)),
                   pl.BlockSpec((_RB, d), lambda i: (i, 0))],
        out_shape=[jax.ShapeDtypeStruct((n, 1), jnp.float32),
                   jax.ShapeDtypeStruct((n, d), jnp.float32)],
    )(d0, d1, g)


def _layer1_body(g_ref, a0_ref, a1_ref, inp0_ref, dinv_ref, invr_ref,
                 gs2_ref, p2_ref, t_ref):
    g = g_ref[...]
    agg = a0_ref[...] + a1_ref[...]
    inp0 = inp0_ref[...]
    dinv = dinv_ref[...]
    invr = invr_ref[...]
    prod = g * agg
    full = jnp.sum(prod, axis=1, keepdims=True)
    li = lax.broadcasted_iota(jnp.int32, prod.shape, 1)
    t = full - jnp.sum(jnp.where(li < 2, prod, 0.0), axis=1, keepdims=True)
    ang = dinv * full
    c = jnp.cos(ang)
    s = jnp.sin(ang)
    p0 = jnp.sum(jnp.where(li == 0, inp0, 0.0), axis=1, keepdims=True)
    p1 = jnp.sum(jnp.where(li == 1, inp0, 0.0), axis=1, keepdims=True)
    q0 = p0 * c - p1 * s
    q1 = p0 * s + p1 * c
    sc = invr * dinv
    li8 = lax.broadcasted_iota(jnp.int32, (gs2_ref.shape[0], 8), 1)
    gs2_ref[...] = jnp.where(li8 == 0, q0 * sc,
                             jnp.where(li8 == 1, q1 * sc, 0.0))
    li2 = lax.broadcasted_iota(jnp.int32, (p2_ref.shape[0], 2), 1)
    p2_ref[...] = jnp.where(li2 == 0, q0, q1)
    t_ref[...] = t


def _layer1(g, a0, a1, inp0, dinv, invr):
    n, d = g.shape
    grid = (n // _RB,)
    wide = pl.BlockSpec((_RB, d), lambda i: (i, 0))
    one = pl.BlockSpec((_RB, 1), lambda i: (i, 0))
    return pl.pallas_call(
        _layer1_body,
        grid=grid,
        in_specs=[wide, wide, wide, wide, one, one],
        out_specs=[pl.BlockSpec((_RB, 8), lambda i: (i, 0)),
                   pl.BlockSpec((_RB, 2), lambda i: (i, 0)),
                   one],
        out_shape=[jax.ShapeDtypeStruct((n, 8), jnp.float32),
                   jax.ShapeDtypeStruct((n, 2), jnp.float32),
                   jax.ShapeDtypeStruct((n, 1), jnp.float32)],
    )(g, a0, a1, inp0, dinv, invr)


def _final_body(ap0_ref, ap1_ref, p2_ref, t_ref, dinv_ref, invr_ref, inp0_ref,
                wc1t_ref, bc1_ref, bng_ref, bnb_ref, wc2t_ref, bc2_ref,
                out_ref):
    aggp = ap0_ref[...] + ap1_ref[...]
    p2 = p2_ref[...]
    dinv = dinv_ref[...]
    invr = invr_ref[...]
    nb = p2.shape[0]
    li2 = lax.broadcasted_iota(jnp.int32, (nb, 2), 1)
    p20 = jnp.sum(jnp.where(li2 == 0, p2, 0.0), axis=1, keepdims=True)
    p21 = jnp.sum(jnp.where(li2 == 1, p2, 0.0), axis=1, keepdims=True)
    li8 = lax.broadcasted_iota(jnp.int32, (nb, 8), 1)
    ap0 = jnp.sum(jnp.where(li8 == 0, aggp, 0.0), axis=1, keepdims=True)
    ap1 = jnp.sum(jnp.where(li8 == 1, aggp, 0.0), axis=1, keepdims=True)
    pdot = invr * (p20 * ap0 + p21 * ap1)
    ang = dinv * (t_ref[...] + pdot)
    c = jnp.cos(ang)
    s = jnp.sin(ang)
    r0 = p20 * c - p21 * s
    r1 = p20 * s + p21 * c
    inp0 = inp0_ref[...]
    li = lax.broadcasted_iota(jnp.int32, inp0.shape, 1)
    inp3 = jnp.where(li == 0, r0, jnp.where(li == 1, r1, inp0))
    h = jnp.dot(inp3, wc1t_ref[...], preferred_element_type=jnp.float32)
    h = jnp.maximum(h + bc1_ref[...], 0.0)
    h = h * (bng_ref[...] * (1.0 / jnp.sqrt(1.0 + 1e-5))) + bnb_ref[...]
    o = jnp.dot(h, wc2t_ref[...], preferred_element_type=jnp.float32)
    o = o + bc2_ref[...]
    mx = jnp.max(o, axis=1, keepdims=True)
    z = o - mx
    lse = jnp.log(jnp.sum(jnp.exp(z), axis=1, keepdims=True))
    out_ref[...] = z - lse


def _final(ap0, ap1, p2, t, dinv, invr, inp0, wc1t, bc1, bng, bnb, wc2t, bc2):
    n, d = inp0.shape
    dout = wc2t.shape[1]
    grid = (n // _RB,)
    one = pl.BlockSpec((_RB, 1), lambda i: (i, 0))
    eight = pl.BlockSpec((_RB, 8), lambda i: (i, 0))
    wide = pl.BlockSpec((_RB, d), lambda i: (i, 0))
    vec = pl.BlockSpec((1, d), lambda i: (0, 0))
    return pl.pallas_call(
        _final_body,
        grid=grid,
        in_specs=[eight, eight, pl.BlockSpec((_RB, 2), lambda i: (i, 0)),
                  one, one, one, wide,
                  pl.BlockSpec((d, d), lambda i: (0, 0)), vec, vec, vec,
                  pl.BlockSpec((d, dout), lambda i: (0, 0)),
                  pl.BlockSpec((1, dout), lambda i: (0, 0))],
        out_specs=[pl.BlockSpec((_RB, dout), lambda i: (i, 0))],
        out_shape=[jax.ShapeDtypeStruct((n, dout), jnp.float32)],
    )(ap0, ap1, p2, t, dinv, invr, inp0, wc1t, bc1, bng, bnb, wc2t, bc2)[0]



def _sc_mesh():
    return plsc.VectorSubcoreMesh(core_axis_name="c", subcore_axis_name="s")


def _sc_deg(row3, ones_tile, zero8):
    n = zero8.shape[0]
    nch = row3.shape[1]
    stripe = n // _NS

    def body(row_hbm, ones_hbm, zero_hbm, out_hbm, idx_v, ones_v, acc_sh):
        cid = lax.axis_index("c")
        sid = lax.axis_index("s")
        wid = sid * _NC + cid
        pltpu.sync_copy(row_hbm.at[wid], idx_v)
        pltpu.sync_copy(ones_hbm, ones_v)
        pltpu.sync_copy(zero_hbm.at[pl.ds(sid * stripe, stripe)],
                        acc_sh.at[pl.ds(sid * stripe, stripe)])
        plsc.subcore_barrier()

        def step(j, carry):
            pltpu.sync_copy(ones_v, acc_sh.at[idx_v.at[j]], add=True)
            return carry

        lax.fori_loop(0, nch, step, 0)
        plsc.subcore_barrier()
        pltpu.sync_copy(acc_sh.at[pl.ds(sid * stripe, stripe)],
                        out_hbm.at[cid, pl.ds(sid * stripe, stripe)])

    return pl.kernel(
        body,
        out_type=jax.ShapeDtypeStruct((_NC, n, 8), jnp.float32),
        mesh=_sc_mesh(),
        scratch_types=[
            pltpu.VMEM((nch, _CH), jnp.int32),
            pltpu.VMEM((_CH, 8), jnp.float32),
            pltpu.VMEM_SHARED((n, 8), jnp.float32),
        ],
    )(row3, ones_tile, zero8)


def _sc_spmm(row3, col3, table, zeros, stage_table=False):
    w = table.shape[1]
    npad = zeros.shape[0]
    nch = row3.shape[1]
    stripe = npad // _NS

    def body(row_hbm, col_hbm, tab_hbm, zero_hbm, out_hbm,
             ridx_v, cidx_v, rows_v, acc_sh, tab_sh, sem):
        cid = lax.axis_index("c")
        sid = lax.axis_index("s")
        wid = sid * _NC + cid
        pltpu.sync_copy(row_hbm.at[wid], ridx_v)
        pltpu.sync_copy(col_hbm.at[wid], cidx_v)
        pltpu.sync_copy(zero_hbm.at[pl.ds(sid * stripe, stripe)],
                        acc_sh.at[pl.ds(sid * stripe, stripe)])
        if stage_table:
            pltpu.sync_copy(tab_hbm.at[pl.ds(sid * stripe, stripe)],
                            tab_sh.at[pl.ds(sid * stripe, stripe)])
        plsc.subcore_barrier()

        src = tab_sh if stage_table else tab_hbm

        def step(j, carry):
            pltpu.async_copy(src.at[cidx_v.at[j]], rows_v, sem).wait()
            pltpu.sync_copy(rows_v, acc_sh.at[ridx_v.at[j]], add=True)
            return carry

        lax.fori_loop(0, nch, step, 0)
        plsc.subcore_barrier()
        pltpu.sync_copy(acc_sh.at[pl.ds(sid * stripe, stripe)],
                        out_hbm.at[cid, pl.ds(sid * stripe, stripe)])

    tab_sh_shape = (npad, w) if stage_table else (8, w)
    return pl.kernel(
        body,
        out_type=jax.ShapeDtypeStruct((_NC, npad, w), jnp.float32),
        mesh=_sc_mesh(),
        scratch_types=[
            pltpu.VMEM((nch, _CH), jnp.int32),
            pltpu.VMEM((nch, _CH), jnp.int32),
            pltpu.VMEM((_CH, w), jnp.float32),
            pltpu.VMEM_SHARED((npad, w), jnp.float32),
            pltpu.VMEM_SHARED(tab_sh_shape, jnp.float32),
            pltpu.SemaphoreType.DMA,
        ],
    )(row3, col3, table, zeros)



def kernel(x, edge_index, W1, b1, ln_g, ln_b, Wc1, bc1, bn_g, bn_b, Wc2, bc2):
    n, d = x.shape
    e = edge_index.shape[1]
    assert e % (_NW * _CH) == 0 and n % _RB == 0
    nch = e // (_NW * _CH)
    npad = ((n + 8 * _NS - 1) // (8 * _NS)) * (8 * _NS)

    row3 = edge_index[0].reshape(_NW, nch, _CH)
    col3 = edge_index[1].reshape(_NW, nch, _CH)

    ones_tile = jnp.ones((_CH, 8), jnp.float32)
    zero8 = jnp.zeros((npad, 8), jnp.float32)
    zero128 = jnp.zeros((npad, d), jnp.float32)

    inp0, g, invr = _prolog(x, W1.T, b1[None], ln_g[None], ln_b[None])
    deg_parts = _sc_deg(row3, ones_tile, zero8)
    dinv, gs = _scale(deg_parts[0, :n], deg_parts[1, :n], g)
    agg_parts = _sc_spmm(row3, col3, gs, zero128)
    gs2, p2, t = _layer1(g, agg_parts[0, :n], agg_parts[1, :n], inp0,
                         dinv, invr)
    gs2p = jnp.pad(gs2, ((0, npad - n), (0, 0)))
    aggp = _sc_spmm(row3, col3, gs2p, zero8, stage_table=True)
    return _final(aggp[0, :n], aggp[1, :n], p2, t, dinv, invr, inp0,
                  Wc1.T, bc1[None], bn_g[None], bn_b[None], Wc2.T, bc2[None])

# --- scband reference (transcript-rebuilt; emitter-appended) ---
"""Pipeline reference for scband-custom-gnn-56650618634427 (READ-ONLY COPY).

The authoritative reference and input builder live on the scoring server;
editing this copy changes nothing except your own understanding.
"""

import jax, jax.numpy as jnp
import numpy as np

N = 10000
E = 320000
D_IN = 128
D_H = 128
D_OUT = 40
L = 2


def setup_inputs(seed: int = 0) -> dict:
    key = jax.random.key(seed)
    ks = jax.random.split(key, 6)
    x = jax.random.normal(ks[0], (N, D_IN), dtype=jnp.float32)
    # A given as COO edge index (values implicitly 1.0); int32 for CPU jax without x64
    edge_index = jax.random.randint(ks[1], (2, E), 0, N, dtype=jnp.int32)
    # Linear(input_dim -> hidden_dim), xavier-ish
    W1 = jax.random.normal(ks[2], (D_H, D_IN), dtype=jnp.float32) * (1.0 / np.sqrt(D_IN))
    b1 = jnp.zeros((D_H,), dtype=jnp.float32)
    # LayerNorm params
    ln_g = jnp.ones((D_H,), dtype=jnp.float32)
    ln_b = jnp.zeros((D_H,), dtype=jnp.float32)
    # classifier: Linear(h,h) -> ReLU -> BatchNorm1d(h) -> Linear(h,out)
    Wc1 = jax.random.normal(ks[3], (D_H, D_H), dtype=jnp.float32) * (1.0 / np.sqrt(D_H))
    bc1 = jnp.zeros((D_H,), dtype=jnp.float32)
    bn_g = jnp.ones((D_H,), dtype=jnp.float32)
    bn_b = jnp.zeros((D_H,), dtype=jnp.float32)
    Wc2 = jax.random.normal(ks[4], (D_OUT, D_H), dtype=jnp.float32) * (1.0 / np.sqrt(D_H))
    bc2 = jnp.zeros((D_OUT,), dtype=jnp.float32)
    return {"x": x, "edge_index": edge_index, "W1": W1, "b1": b1,
            "ln_g": ln_g, "ln_b": ln_b, "Wc1": Wc1, "bc1": bc1,
            "bn_g": bn_g, "bn_b": bn_b, "Wc2": Wc2, "bc2": bc2}


def _layernorm(h, g, b, eps=1e-5):
    m = jnp.mean(h, axis=-1, keepdims=True)
    v = jnp.mean((h - m) ** 2, axis=-1, keepdims=True)
    return (h - m) / jnp.sqrt(v + eps) * g + b


def reference(x, edge_index, W1, b1, ln_g, ln_b, Wc1, bc1, bn_g, bn_b, Wc2, bc2):
    n = x.shape[0]
    row = edge_index[0]
    col = edge_index[1]
    e = row.shape[0]

    H = x @ W1.T + b1
    support = jax.nn.relu(H)
    support1 = _layernorm(support, ln_g, ln_b)
    inp = support1  # dropout in eval mode = identity

    # D^{-1/2} from row degrees of A (values = 1.0); inf -> 0 for isolated nodes
    deg = jax.ops.segment_sum(jnp.ones((e,), dtype=jnp.float32), row, num_segments=n)
    dinv = jnp.where(deg > 0, 1.0 / jnp.sqrt(deg), 0.0)

    for _ in range(L):
        # normalized features; Angle[i,j] = clamp(<fn_i, fn_j>, -1, 1)
        norm = jnp.sqrt(jnp.sum(inp * inp, axis=1, keepdims=True))
        fn = inp * (1.0 / (norm + 1e-4))
        # diag(A_norm @ Angle.T)[i] = sum_j A_norm[i,j] * Angle[i,j]
        # A_norm[i,j] = dinv[i] * A[i,j] * dinv[j] -> compute per edge (gather-heavy)
        angle_e = jnp.clip(jnp.sum(fn[row] * fn[col], axis=1), -1.0, 1.0)
        a_norm_e = dinv[row] * dinv[col]
        updated_angle = jax.ops.segment_sum(a_norm_e * angle_e, row, num_segments=n)
        # rotate first two feature dims by updated_angle
        c = jnp.cos(updated_angle)
        s = jnp.sin(updated_angle)
        f0 = inp[:, 0] * c - inp[:, 1] * s
        f1 = inp[:, 0] * s + inp[:, 1] * c
        inp = jnp.concatenate([f0[:, None], f1[:, None], inp[:, 2:]], axis=1)

    # classifier (BatchNorm1d in eval mode: running_mean=0, running_var=1)
    h = jax.nn.relu(inp @ Wc1.T + bc1)
    h = h / jnp.sqrt(1.0 + 1e-5) * bn_g + bn_b
    out = h @ Wc2.T + bc2
    return jax.nn.log_softmax(out, axis=1)

if __name__ == "__main__":
    import jax
    _d = setup_inputs()
    print(jax.jit(kernel)(*tuple(_d.values())))

</pallas_src>

<mosaic_0001>
#map = affine_map<(d0, d1) -> (0, 0, 0)>
#map1 = affine_map<(d0, d1) -> (0, 0)>
module attributes {stable_mosaic.version = 14 : i64} {
  func.func @body(%arg0: i32, %arg1: i32, %arg2: memref<32x125x80xi32, #tpu.memory_space<hbm>>, %arg3: memref<32x125x80xi32, #tpu.memory_space<hbm>>, %arg4: memref<10000x128xf32, #tpu.memory_space<hbm>>, %arg5: memref<10112x128xf32, #tpu.memory_space<hbm>>, %arg6: memref<2x10112x128xf32, #tpu.memory_space<hbm>>, %arg7: memref<125x80xi32, #tpu.memory_space<vmem>>, %arg8: memref<125x80xi32, #tpu.memory_space<vmem>>, %arg9: memref<80x128xf32, #tpu.memory_space<vmem>>, %arg10: memref<10112x128xf32, #tpu.memory_space<vmem_shared>>, %arg11: memref<8x128xf32, #tpu.memory_space<vmem_shared>>, %arg12: memref<!tpu.dma_semaphore, #tpu.memory_space<semaphore_mem>>) attributes {dimension_semantics = [#tpu.dimension_semantics<core_parallel>, #tpu.dimension_semantics<subcore_parallel>], iteration_bounds = array<i64: 2, 16>, scalar_prefetch = 0 : i64, scratch_operands = 6 : i64, tpu.core_type = #tpu.core_type<sc_vector_subcore>, window_params = [{transform_indices = #map}, {transform_indices = #map}, {transform_indices = #map1}, {transform_indices = #map1}, {transform_indices = #map}]} {
    %mul3A = arith.constant 2 : i32
    %mul3A_0 = arith.muli %arg1, %mul3A : i32
    %add3A = arith.addi %mul3A_0, %arg0 : i32
    "tpu.region"() ({
      %run_scoped3A = tpu.sem_alloc : memref<!tpu.dma_semaphore, #tpu.memory_space<semaphore_mem>>
      %dma_start3A = arith.constant 0 : i32
      %dma_start3A_15 = arith.constant 0 : i32
      %dma_start3A_16 = tpu.memref_slice %arg2[%add3A, %dma_start3A, %dma_start3A_15] : memref<32x125x80xi32, #tpu.memory_space<hbm>> -> memref<1x125x80xi32, #tpu.memory_space<hbm>>
      %dma_start3A_17 = tpu.memref_squeeze %dma_start3A_16 : memref<1x125x80xi32, #tpu.memory_space<hbm>> -> memref<125x80xi32, #tpu.memory_space<hbm>>
      %dma_start3A_18 = arith.constant 0 : i32
      %dma_start3A_19 = arith.constant 0 : i32
      %dma_start3A_20 = tpu.memref_slice %arg2[%add3A, %dma_start3A_18, %dma_start3A_19] : memref<32x125x80xi32, #tpu.memory_space<hbm>> -> memref<1x125x80xi32, #tpu.memory_space<hbm>>
      %dma_start3A_21 = tpu.memref_squeeze %dma_start3A_20 : memref<1x125x80xi32, #tpu.memory_space<hbm>> -> memref<125x80xi32, #tpu.memory_space<hbm>>
      tpu.enqueue_dma source(%dma_start3A_21 : memref<125x80xi32, #tpu.memory_space<hbm>>) target(%arg7 : memref<125x80xi32, #tpu.memory_space<vmem>>) target_semaphore(%run_scoped3A : memref<!tpu.dma_semaphore, #tpu.memory_space<semaphore_mem>>)
      %dma_wait3A = arith.constant 0 : i32
      %dma_wait3A_22 = arith.constant 0 : i32
      %dma_wait3A_23 = tpu.memref_slice %arg2[%add3A, %dma_wait3A, %dma_wait3A_22] : memref<32x125x80xi32, #tpu.memory_space<hbm>> -> memref<1x125x80xi32, #tpu.memory_space<hbm>>
      %dma_wait3A_24 = tpu.memref_squeeze %dma_wait3A_23 : memref<1x125x80xi32, #tpu.memory_space<hbm>> -> memref<125x80xi32, #tpu.memory_space<hbm>>
      %dma_wait3A_25 = arith.constant 0 : i32
      %dma_wait3A_26 = arith.constant 0 : i32
      %dma_wait3A_27 = tpu.memref_slice %arg2[%add3A, %dma_wait3A_25, %dma_wait3A_26] : memref<32x125x80xi32, #tpu.memory_space<hbm>> -> memref<1x125x80xi32, #tpu.memory_space<hbm>>
      %dma_wait3A_28 = tpu.memref_squeeze %dma_wait3A_27 : memref<1x125x80xi32, #tpu.memory_space<hbm>> -> memref<125x80xi32, #tpu.memory_space<hbm>>
      tpu.wait_dma2 semaphore(%run_scoped3A : memref<!tpu.dma_semaphore, #tpu.memory_space<semaphore_mem>>) src(%dma_wait3A_28 : memref<125x80xi32, #tpu.memory_space<hbm>>) dst(%arg7 : memref<125x80xi32, #tpu.memory_space<vmem>>)
      tpu.yield
    }) : () -> ()
    "tpu.region"() ({
      %run_scoped3A = tpu.sem_alloc : memref<!tpu.dma_semaphore, #tpu.memory_space<semaphore_mem>>
      %dma_start3A = arith.constant 0 : i32
      %dma_start3A_15 = arith.constant 0 : i32
      %dma_start3A_16 = tpu.memref_slice %arg3[%add3A, %dma_start3A, %dma_start3A_15] : memref<32x125x80xi32, #tpu.memory_space<hbm>> -> memref<1x125x80xi32, #tpu.memory_space<hbm>>
      %dma_start3A_17 = tpu.memref_squeeze %dma_start3A_16 : memref<1x125x80xi32, #tpu.memory_space<hbm>> -> memref<125x80xi32, #tpu.memory_space<hbm>>
      %dma_start3A_18 = arith.constant 0 : i32
      %dma_start3A_19 = arith.constant 0 : i32
      %dma_start3A_20 = tpu.memref_slice %arg3[%add3A, %dma_start3A_18, %dma_start3A_19] : memref<32x125x80xi32, #tpu.memory_space<hbm>> -> memref<1x125x80xi32, #tpu.memory_space<hbm>>
      %dma_start3A_21 = tpu.memref_squeeze %dma_start3A_20 : memref<1x125x80xi32, #tpu.memory_space<hbm>> -> memref<125x80xi32, #tpu.memory_space<hbm>>
      tpu.enqueue_dma source(%dma_start3A_21 : memref<125x80xi32, #tpu.memory_space<hbm>>) target(%arg8 : memref<125x80xi32, #tpu.memory_space<vmem>>) target_semaphore(%run_scoped3A : memref<!tpu.dma_semaphore, #tpu.memory_space<semaphore_mem>>)
      %dma_wait3A = arith.constant 0 : i32
      %dma_wait3A_22 = arith.constant 0 : i32
      %dma_wait3A_23 = tpu.memref_slice %arg3[%add3A, %dma_wait3A, %dma_wait3A_22] : memref<32x125x80xi32, #tpu.memory_space<hbm>> -> memref<1x125x80xi32, #tpu.memory_space<hbm>>
      %dma_wait3A_24 = tpu.memref_squeeze %dma_wait3A_23 : memref<1x125x80xi32, #tpu.memory_space<hbm>> -> memref<125x80xi32, #tpu.memory_space<hbm>>
      %dma_wait3A_25 = arith.constant 0 : i32
      %dma_wait3A_26 = arith.constant 0 : i32
      %dma_wait3A_27 = tpu.memref_slice %arg3[%add3A, %dma_wait3A_25, %dma_wait3A_26] : memref<32x125x80xi32, #tpu.memory_space<hbm>> -> memref<1x125x80xi32, #tpu.memory_space<hbm>>
      %dma_wait3A_28 = tpu.memref_squeeze %dma_wait3A_27 : memref<1x125x80xi32, #tpu.memory_space<hbm>> -> memref<125x80xi32, #tpu.memory_space<hbm>>
      tpu.wait_dma2 semaphore(%run_scoped3A : memref<!tpu.dma_semaphore, #tpu.memory_space<semaphore_mem>>) src(%dma_wait3A_28 : memref<125x80xi32, #tpu.memory_space<hbm>>) dst(%arg8 : memref<125x80xi32, #tpu.memory_space<vmem>>)
      tpu.yield
    }) : () -> ()
    %mul3A_1 = arith.constant 632 : i32
    %mul3A_2 = arith.muli %arg1, %mul3A_1 : i32
    %mul3A_3 = arith.constant 632 : i32
    %mul3A_4 = arith.muli %arg1, %mul3A_3 : i32
    "tpu.region"() ({
      %run_scoped3A = tpu.sem_alloc : memref<!tpu.dma_semaphore, #tpu.memory_space<semaphore_mem>>
      %dma_start3A = arith.constant 0 : i32
      %dma_start3A_15 = tpu.memref_slice %arg10[%mul3A_4, %dma_start3A] : memref<10112x128xf32, #tpu.memory_space<vmem_shared>> -> memref<632x128xf32, #tpu.memory_space<vmem_shared>>
      %dma_start3A_16 = arith.constant 0 : i32
      %dma_start3A_17 = tpu.memref_slice %arg5[%mul3A_2, %dma_start3A_16] : memref<10112x128xf32, #tpu.memory_space<hbm>> -> memref<632x128xf32, #tpu.memory_space<hbm>>
      tpu.enqueue_dma source(%dma_start3A_17 : memref<632x128xf32, #tpu.memory_space<hbm>>) target(%dma_start3A_15 : memref<632x128xf32, #tpu.memory_space<vmem_shared>>) target_semaphore(%run_scoped3A : memref<!tpu.dma_semaphore, #tpu.memory_space<semaphore_mem>>)
      %dma_wait3A = arith.constant 0 : i32
      %dma_wait3A_18 = tpu.memref_slice %arg10[%mul3A_4, %dma_wait3A] : memref<10112x128xf32, #tpu.memory_space<vmem_shared>> -> memref<632x128xf32, #tpu.memory_space<vmem_shared>>
      %dma_wait3A_19 = arith.constant 0 : i32
      %dma_wait3A_20 = tpu.memref_slice %arg5[%mul3A_2, %dma_wait3A_19] : memref<10112x128xf32, #tpu.memory_space<hbm>> -> memref<632x128xf32, #tpu.memory_space<hbm>>
      tpu.wait_dma2 semaphore(%run_scoped3A : memref<!tpu.dma_semaphore, #tpu.memory_space<semaphore_mem>>) src(%dma_wait3A_20 : memref<632x128xf32, #tpu.memory_space<hbm>>) dst(%dma_wait3A_18 : memref<632x128xf32, #tpu.memory_space<vmem_shared>>)
      tpu.yield
    }) : () -> ()
    %barrier3A = arith.constant 0 : index
    tpu.barrier barrier_id(%barrier3A)
    %scan3A = arith.constant 0 : i32
    %scan3A_5 = arith.constant 0 : i32
    %scan3A_6 = arith.constant 125 : i32
    %scan3A_7 = arith.addi %scan3A_5, %scan3A_6 : i32
    %scan3A_8 = arith.constant 1 : i32
    scf.for %scan3A_15 = %scan3A_5 to %scan3A_7 step %scan3A_8  : i32 {
      %dma_start3A = arith.constant 0 : i32
      %dma_start3A_16 = tpu.memref_slice %arg8[%scan3A_15, %dma_start3A] : memref<125x80xi32, #tpu.memory_space<vmem>> -> memref<1x80xi32, #tpu.memory_space<vmem>>
      %dma_start3A_17 = tpu.memref_squeeze %dma_start3A_16 : memref<1x80xi32, #tpu.memory_space<vmem>> -> memref<80xi32, #tpu.memory_space<vmem>>
      %dma_start3A_18 = arith.constant 0 : i32
      %dma_start3A_19 = arith.constant 0 : i32
      %dma_start3A_20 = tpu.memref_slice %arg4[%dma_start3A_18, %dma_start3A_19] : memref<10000x128xf32, #tpu.memory_space<hbm>> -> memref<10000x128xf32, #tpu.memory_space<hbm>>
      tpu.enqueue_indirect_dma source(%dma_start3A_20 : memref<10000x128xf32, #tpu.memory_space<hbm>>) target(%arg9 : memref<80x128xf32, #tpu.memory_space<vmem>>) offsets(%dma_start3A_17 : memref<80xi32, #tpu.memory_space<vmem>>) semaphore(%arg12 : memref<!tpu.dma_semaphore, #tpu.memory_space<semaphore_mem>>)
      %dma_wait3A = arith.constant 0 : i32
      %dma_wait3A_21 = tpu.memref_slice %arg8[%scan3A_15, %dma_wait3A] : memref<125x80xi32, #tpu.memory_space<vmem>> -> memref<1x80xi32, #tpu.memory_space<vmem>>
      %dma_wait3A_22 = tpu.memref_squeeze %dma_wait3A_21 : memref<1x80xi32, #tpu.memory_space<vmem>> -> memref<80xi32, #tpu.memory_space<vmem>>
      %dma_wait3A_23 = arith.constant 0 : i32
      %dma_wait3A_24 = arith.constant 0 : i32
      %dma_wait3A_25 = tpu.memref_slice %arg4[%dma_wait3A_23, %dma_wait3A_24] : memref<10000x128xf32, #tpu.memory_space<hbm>> -> memref<10000x128xf32, #tpu.memory_space<hbm>>
      tpu.wait_indirect_dma semaphore(%arg12 : memref<!tpu.dma_semaphore, #tpu.memory_space<semaphore_mem>>) src(%dma_wait3A_25 : memref<10000x128xf32, #tpu.memory_space<hbm>>) dst(%arg9 : memref<80x128xf32, #tpu.memory_space<vmem>>)
      "tpu.region"() ({
        %run_scoped3A = tpu.sem_alloc : memref<!tpu.dma_semaphore, #tpu.memory_space<semaphore_mem>>
        %dma_start3A_26 = arith.constant 0 : i32
        %dma_start3A_27 = tpu.memref_slice %arg7[%scan3A_15, %dma_start3A_26] : memref<125x80xi32, #tpu.memory_space<vmem>> -> memref<1x80xi32, #tpu.memory_space<vmem>>
        %dma_start3A_28 = tpu.memref_squeeze %dma_start3A_27 : memref<1x80xi32, #tpu.memory_space<vmem>> -> memref<80xi32, #tpu.memory_space<vmem>>
        %dma_start3A_29 = arith.constant 0 : i32
        %dma_start3A_30 = arith.constant 0 : i32
        %dma_start3A_31 = tpu.memref_slice %arg10[%dma_start3A_29, %dma_start3A_30] : memref<10112x128xf32, #tpu.memory_space<vmem_shared>> -> memref<10112x128xf32, #tpu.memory_space<vmem_shared>>
        tpu.enqueue_indirect_dma source(%arg9 : memref<80x128xf32, #tpu.memory_space<vmem>>) target(%dma_start3A_31 : memref<10112x128xf32, #tpu.memory_space<vmem_shared>>) offsets(%dma_start3A_28 : memref<80xi32, #tpu.memory_space<vmem>>) semaphore(%run_scoped3A : memref<!tpu.dma_semaphore, #tpu.memory_space<semaphore_mem>>) {add = true}
        %dma_wait3A_32 = arith.constant 0 : i32
        %dma_wait3A_33 = tpu.memref_slice %arg7[%scan3A_15, %dma_wait3A_32] : memref<125x80xi32, #tpu.memory_space<vmem>> -> memref<1x80xi32, #tpu.memory_space<vmem>>
        %dma_wait3A_34 = tpu.memref_squeeze %dma_wait3A_33 : memref<1x80xi32, #tpu.memory_space<vmem>> -> memref<80xi32, #tpu.memory_space<vmem>>
        %dma_wait3A_35 = arith.constant 0 : i32
        %dma_wait3A_36 = arith.constant 0 : i32
        %dma_wait3A_37 = tpu.memref_slice %arg10[%dma_wait3A_35, %dma_wait3A_36] : memref<10112x128xf32, #tpu.memory_space<vmem_shared>> -> memref<10112x128xf32, #tpu.memory_space<vmem_shared>>
        tpu.wait_indirect_dma semaphore(%run_scoped3A : memref<!tpu.dma_semaphore, #tpu.memory_space<semaphore_mem>>) src(%arg9 : memref<80x128xf32, #tpu.memory_space<vmem>>) dst(%dma_wait3A_37 : memref<10112x128xf32, #tpu.memory_space<vmem_shared>>)
        tpu.yield
      }) : () -> ()
    }
    %scan3A_9 = arith.constant 125 : i32
    %barrier3A_10 = arith.constant 0 : index
    tpu.barrier barrier_id(%barrier3A_10)
    %mul3A_11 = arith.constant 632 : i32
    %mul3A_12 = arith.muli %arg1, %mul3A_11 : i32
    %mul3A_13 = arith.constant 632 : i32
    %mul3A_14 = arith.muli %arg1, %mul3A_13 : i32
    "tpu.region"() ({
      %run_scoped3A = tpu.sem_alloc : memref<!tpu.dma_semaphore, #tpu.memory_space<semaphore_mem>>
      %dma_start3A = arith.constant 0 : i32
      %dma_start3A_15 = tpu.memref_slice %arg6[%arg0, %mul3A_14, %dma_start3A] : memref<2x10112x128xf32, #tpu.memory_space<hbm>> -> memref<1x632x128xf32, #tpu.memory_space<hbm>>
      %dma_start3A_16 = tpu.memref_squeeze %dma_start3A_15 : memref<1x632x128xf32, #tpu.memory_space<hbm>> -> memref<632x128xf32, #tpu.memory_space<hbm>>
      %dma_start3A_17 = arith.constant 0 : i32
      %dma_start3A_18 = tpu.memref_slice %arg10[%mul3A_12, %dma_start3A_17] : memref<10112x128xf32, #tpu.memory_space<vmem_shared>> -> memref<632x128xf32, #tpu.memory_space<vmem_shared>>
      tpu.enqueue_dma source(%dma_start3A_18 : memref<632x128xf32, #tpu.memory_space<vmem_shared>>) target(%dma_start3A_16 : memref<632x128xf32, #tpu.memory_space<hbm>>) target_semaphore(%run_scoped3A : memref<!tpu.dma_semaphore, #tpu.memory_space<semaphore_mem>>)
      %dma_wait3A = arith.constant 0 : i32
      %dma_wait3A_19 = tpu.memref_slice %arg6[%arg0, %mul3A_14, %dma_wait3A] : memref<2x10112x128xf32, #tpu.memory_space<hbm>> -> memref<1x632x128xf32, #tpu.memory_space<hbm>>
      %dma_wait3A_20 = tpu.memref_squeeze %dma_wait3A_19 : memref<1x632x128xf32, #tpu.memory_space<hbm>> -> memref<632x128xf32, #tpu.memory_space<hbm>>
      %dma_wait3A_21 = arith.constant 0 : i32
      %dma_wait3A_22 = tpu.memref_slice %arg10[%mul3A_12, %dma_wait3A_21] : memref<10112x128xf32, #tpu.memory_space<vmem_shared>> -> memref<632x128xf32, #tpu.memory_space<vmem_shared>>
      tpu.wait_dma2 semaphore(%run_scoped3A : memref<!tpu.dma_semaphore, #tpu.memory_space<semaphore_mem>>) src(%dma_wait3A_22 : memref<632x128xf32, #tpu.memory_space<vmem_shared>>) dst(%dma_wait3A_20 : memref<632x128xf32, #tpu.memory_space<hbm>>)
      tpu.yield
    }) : () -> ()
    return
  }
}

#map = affine_map<(d0, d1) -> (0, 0, 0)>
#map1 = affine_map<(d0, d1) -> (0, 0)>
module attributes {stable_mosaic.version = 14 : i64} {
  func.func @body(%arg0: i32, %arg1: i32, %arg2: memref<32x125x80xi32, #tpu.memory_space<hbm>>, %arg3: memref<32x125x80xi32, #tpu.memory_space<hbm>>, %arg4: memref<10112x8xf32, #tpu.memory_space<hbm>>, %arg5: memref<10112x8xf32, #tpu.memory_space<hbm>>, %arg6: memref<2x10112x8xf32, #tpu.memory_space<hbm>>, %arg7: memref<125x80xi32, #tpu.memory_space<vmem>>, %arg8: memref<125x80xi32, #tpu.memory_space<vmem>>, %arg9: memref<80x8xf32, #tpu.memory_space<vmem>>, %arg10: memref<10112x8xf32, #tpu.memory_space<vmem_shared>>, %arg11: memref<10112x8xf32, #tpu.memory_space<vmem_shared>>, %arg12: memref<!tpu.dma_semaphore, #tpu.memory_space<semaphore_mem>>) attributes {dimension_semantics = [#tpu.dimension_semantics<core_parallel>, #tpu.dimension_semantics<subcore_parallel>], iteration_bounds = array<i64: 2, 16>, scalar_prefetch = 0 : i64, scratch_operands = 6 : i64, tpu.core_type = #tpu.core_type<sc_vector_subcore>, window_params = [{transform_indices = #map}, {transform_indices = #map}, {transform_indices = #map1}, {transform_indices = #map1}, {transform_indices = #map}]} {
    %mul3A = arith.constant 2 : i32
    %mul3A_0 = arith.muli %arg1, %mul3A : i32
    %add3A = arith.addi %mul3A_0, %arg0 : i32
    "tpu.region"() ({
      %run_scoped3A = tpu.sem_alloc : memref<!tpu.dma_semaphore, #tpu.memory_space<semaphore_mem>>
      %dma_start3A = arith.constant 0 : i32
      %dma_start3A_19 = arith.constant 0 : i32
      %dma_start3A_20 = tpu.memref_slice %arg2[%add3A, %dma_start3A, %dma_start3A_19] : memref<32x125x80xi32, #tpu.memory_space<hbm>> -> memref<1x125x80xi32, #tpu.memory_space<hbm>>
      %dma_start3A_21 = tpu.memref_squeeze %dma_start3A_20 : memref<1x125x80xi32, #tpu.memory_space<hbm>> -> memref<125x80xi32, #tpu.memory_space<hbm>>
      %dma_start3A_22 = arith.constant 0 : i32
      %dma_start3A_23 = arith.constant 0 : i32
      %dma_start3A_24 = tpu.memref_slice %arg2[%add3A, %dma_start3A_22, %dma_start3A_23] : memref<32x125x80xi32, #tpu.memory_space<hbm>> -> memref<1x125x80xi32, #tpu.memory_space<hbm>>
      %dma_start3A_25 = tpu.memref_squeeze %dma_start3A_24 : memref<1x125x80xi32, #tpu.memory_space<hbm>> -> memref<125x80xi32, #tpu.memory_space<hbm>>
      tpu.enqueue_dma source(%dma_start3A_25 : memref<125x80xi32, #tpu.memory_space<hbm>>) target(%arg7 : memref<125x80xi32, #tpu.memory_space<vmem>>) target_semaphore(%run_scoped3A : memref<!tpu.dma_semaphore, #tpu.memory_space<semaphore_mem>>)
      %dma_wait3A = arith.constant 0 : i32
      %dma_wait3A_26 = arith.constant 0 : i32
      %dma_wait3A_27 = tpu.memref_slice %arg2[%add3A, %dma_wait3A, %dma_wait3A_26] : memref<32x125x80xi32, #tpu.memory_space<hbm>> -> memref<1x125x80xi32, #tpu.memory_space<hbm>>
      %dma_wait3A_28 = tpu.memref_squeeze %dma_wait3A_27 : memref<1x125x80xi32, #tpu.memory_space<hbm>> -> memref<125x80xi32, #tpu.memory_space<hbm>>
      %dma_wait3A_29 = arith.constant 0 : i32
      %dma_wait3A_30 = arith.constant 0 : i32
      %dma_wait3A_31 = tpu.memref_slice %arg2[%add3A, %dma_wait3A_29, %dma_wait3A_30] : memref<32x125x80xi32, #tpu.memory_space<hbm>> -> memref<1x125x80xi32, #tpu.memory_space<hbm>>
      %dma_wait3A_32 = tpu.memref_squeeze %dma_wait3A_31 : memref<1x125x80xi32, #tpu.memory_space<hbm>> -> memref<125x80xi32, #tpu.memory_space<hbm>>
      tpu.wait_dma2 semaphore(%run_scoped3A : memref<!tpu.dma_semaphore, #tpu.memory_space<semaphore_mem>>) src(%dma_wait3A_32 : memref<125x80xi32, #tpu.memory_space<hbm>>) dst(%arg7 : memref<125x80xi32, #tpu.memory_space<vmem>>)
      tpu.yield
    }) : () -> ()
    "tpu.region"() ({
      %run_scoped3A = tpu.sem_alloc : memref<!tpu.dma_semaphore, #tpu.memory_space<semaphore_mem>>
      %dma_start3A = arith.constant 0 : i32
      %dma_start3A_19 = arith.constant 0 : i32
      %dma_start3A_20 = tpu.memref_slice %arg3[%add3A, %dma_start3A, %dma_start3A_19] : memref<32x125x80xi32, #tpu.memory_space<hbm>> -> memref<1x125x80xi32, #tpu.memory_space<hbm>>
      %dma_start3A_21 = tpu.memref_squeeze %dma_start3A_20 : memref<1x125x80xi32, #tpu.memory_space<hbm>> -> memref<125x80xi32, #tpu.memory_space<hbm>>
      %dma_start3A_22 = arith.constant 0 : i32
      %dma_start3A_23 = arith.constant 0 : i32
      %dma_start3A_24 = tpu.memref_slice %arg3[%add3A, %dma_start3A_22, %dma_start3A_23] : memref<32x125x80xi32, #tpu.memory_space<hbm>> -> memref<1x125x80xi32, #tpu.memory_space<hbm>>
      %dma_start3A_25 = tpu.memref_squeeze %dma_start3A_24 : memref<1x125x80xi32, #tpu.memory_space<hbm>> -> memref<125x80xi32, #tpu.memory_space<hbm>>
      tpu.enqueue_dma source(%dma_start3A_25 : memref<125x80xi32, #tpu.memory_space<hbm>>) target(%arg8 : memref<125x80xi32, #tpu.memory_space<vmem>>) target_semaphore(%run_scoped3A : memref<!tpu.dma_semaphore, #tpu.memory_space<semaphore_mem>>)
      %dma_wait3A = arith.constant 0 : i32
      %dma_wait3A_26 = arith.constant 0 : i32
      %dma_wait3A_27 = tpu.memref_slice %arg3[%add3A, %dma_wait3A, %dma_wait3A_26] : memref<32x125x80xi32, #tpu.memory_space<hbm>> -> memref<1x125x80xi32, #tpu.memory_space<hbm>>
      %dma_wait3A_28 = tpu.memref_squeeze %dma_wait3A_27 : memref<1x125x80xi32, #tpu.memory_space<hbm>> -> memref<125x80xi32, #tpu.memory_space<hbm>>
      %dma_wait3A_29 = arith.constant 0 : i32
      %dma_wait3A_30 = arith.constant 0 : i32
      %dma_wait3A_31 = tpu.memref_slice %arg3[%add3A, %dma_wait3A_29, %dma_wait3A_30] : memref<32x125x80xi32, #tpu.memory_space<hbm>> -> memref<1x125x80xi32, #tpu.memory_space<hbm>>
      %dma_wait3A_32 = tpu.memref_squeeze %dma_wait3A_31 : memref<1x125x80xi32, #tpu.memory_space<hbm>> -> memref<125x80xi32, #tpu.memory_space<hbm>>
      tpu.wait_dma2 semaphore(%run_scoped3A : memref<!tpu.dma_semaphore, #tpu.memory_space<semaphore_mem>>) src(%dma_wait3A_32 : memref<125x80xi32, #tpu.memory_space<hbm>>) dst(%arg8 : memref<125x80xi32, #tpu.memory_space<vmem>>)
      tpu.yield
    }) : () -> ()
    %mul3A_1 = arith.constant 632 : i32
    %mul3A_2 = arith.muli %arg1, %mul3A_1 : i32
    %mul3A_3 = arith.constant 632 : i32
    %mul3A_4 = arith.muli %arg1, %mul3A_3 : i32
    "tpu.region"() ({
      %run_scoped3A = tpu.sem_alloc : memref<!tpu.dma_semaphore, #tpu.memory_space<semaphore_mem>>
      %dma_start3A = arith.constant 0 : i32
      %dma_start3A_19 = tpu.memref_slice %arg10[%mul3A_4, %dma_start3A] : memref<10112x8xf32, #tpu.memory_space<vmem_shared>> -> memref<632x8xf32, #tpu.memory_space<vmem_shared>>
      %dma_start3A_20 = arith.constant 0 : i32
      %dma_start3A_21 = tpu.memref_slice %arg5[%mul3A_2, %dma_start3A_20] : memref<10112x8xf32, #tpu.memory_space<hbm>> -> memref<632x8xf32, #tpu.memory_space<hbm>>
      tpu.enqueue_dma source(%dma_start3A_21 : memref<632x8xf32, #tpu.memory_space<hbm>>) target(%dma_start3A_19 : memref<632x8xf32, #tpu.memory_space<vmem_shared>>) target_semaphore(%run_scoped3A : memref<!tpu.dma_semaphore, #tpu.memory_space<semaphore_mem>>)
      %dma_wait3A = arith.constant 0 : i32
      %dma_wait3A_22 = tpu.memref_slice %arg10[%mul3A_4, %dma_wait3A] : memref<10112x8xf32, #tpu.memory_space<vmem_shared>> -> memref<632x8xf32, #tpu.memory_space<vmem_shared>>
      %dma_wait3A_23 = arith.constant 0 : i32
      %dma_wait3A_24 = tpu.memref_slice %arg5[%mul3A_2, %dma_wait3A_23] : memref<10112x8xf32, #tpu.memory_space<hbm>> -> memref<632x8xf32, #tpu.memory_space<hbm>>
      tpu.wait_dma2 semaphore(%run_scoped3A : memref<!tpu.dma_semaphore, #tpu.memory_space<semaphore_mem>>) src(%dma_wait3A_24 : memref<632x8xf32, #tpu.memory_space<hbm>>) dst(%dma_wait3A_22 : memref<632x8xf32, #tpu.memory_space<vmem_shared>>)
      tpu.yield
    }) : () -> ()
    %mul3A_5 = arith.constant 632 : i32
    %mul3A_6 = arith.muli %arg1, %mul3A_5 : i32
    %mul3A_7 = arith.constant 632 : i32
    %mul3A_8 = arith.muli %arg1, %mul3A_7 : i32
    "tpu.region"() ({
      %run_scoped3A = tpu.sem_alloc : memref<!tpu.dma_semaphore, #tpu.memory_space<semaphore_mem>>
      %dma_start3A = arith.constant 0 : i32
      %dma_start3A_19 = tpu.memref_slice %arg11[%mul3A_8, %dma_start3A] : memref<10112x8xf32, #tpu.memory_space<vmem_shared>> -> memref<632x8xf32, #tpu.memory_space<vmem_shared>>
      %dma_start3A_20 = arith.constant 0 : i32
      %dma_start3A_21 = tpu.memref_slice %arg4[%mul3A_6, %dma_start3A_20] : memref<10112x8xf32, #tpu.memory_space<hbm>> -> memref<632x8xf32, #tpu.memory_space<hbm>>
      tpu.enqueue_dma source(%dma_start3A_21 : memref<632x8xf32, #tpu.memory_space<hbm>>) target(%dma_start3A_19 : memref<632x8xf32, #tpu.memory_space<vmem_shared>>) target_semaphore(%run_scoped3A : memref<!tpu.dma_semaphore, #tpu.memory_space<semaphore_mem>>)
      %dma_wait3A = arith.constant 0 : i32
      %dma_wait3A_22 = tpu.memref_slice %arg11[%mul3A_8, %dma_wait3A] : memref<10112x8xf32, #tpu.memory_space<vmem_shared>> -> memref<632x8xf32, #tpu.memory_space<vmem_shared>>
      %dma_wait3A_23 = arith.constant 0 : i32
      %dma_wait3A_24 = tpu.memref_slice %arg4[%mul3A_6, %dma_wait3A_23] : memref<10112x8xf32, #tpu.memory_space<hbm>> -> memref<632x8xf32, #tpu.memory_space<hbm>>
      tpu.wait_dma2 semaphore(%run_scoped3A : memref<!tpu.dma_semaphore, #tpu.memory_space<semaphore_mem>>) src(%dma_wait3A_24 : memref<632x8xf32, #tpu.memory_space<hbm>>) dst(%dma_wait3A_22 : memref<632x8xf32, #tpu.memory_space<vmem_shared>>)
      tpu.yield
    }) : () -> ()
    %barrier3A = arith.constant 0 : index
    tpu.barrier barrier_id(%barrier3A)
    %scan3A = arith.constant 0 : i32
    %scan3A_9 = arith.constant 0 : i32
    %scan3A_10 = arith.constant 125 : i32
    %scan3A_11 = arith.addi %scan3A_9, %scan3A_10 : i32
    %scan3A_12 = arith.constant 1 : i32
    scf.for %scan3A_19 = %scan3A_9 to %scan3A_11 step %scan3A_12  : i32 {
      %dma_start3A = arith.constant 0 : i32
      %dma_start3A_20 = tpu.memref_slice %arg8[%scan3A_19, %dma_start3A] : memref<125x80xi32, #tpu.memory_space<vmem>> -> memref<1x80xi32, #tpu.memory_space<vmem>>
      %dma_start3A_21 = tpu.memref_squeeze %dma_start3A_20 : memref<1x80xi32, #tpu.memory_space<vmem>> -> memref<80xi32, #tpu.memory_space<vmem>>
      %dma_start3A_22 = arith.constant 0 : i32
      %dma_start3A_23 = arith.constant 0 : i32
      %dma_start3A_24 = tpu.memref_slice %arg11[%dma_start3A_22, %dma_start3A_23] : memref<10112x8xf32, #tpu.memory_space<vmem_shared>> -> memref<10112x8xf32, #tpu.memory_space<vmem_shared>>
      tpu.enqueue_indirect_dma source(%dma_start3A_24 : memref<10112x8xf32, #tpu.memory_space<vmem_shared>>) target(%arg9 : memref<80x8xf32, #tpu.memory_space<vmem>>) offsets(%dma_start3A_21 : memref<80xi32, #tpu.memory_space<vmem>>) semaphore(%arg12 : memref<!tpu.dma_semaphore, #tpu.memory_space<semaphore_mem>>)
      %dma_wait3A = arith.constant 0 : i32
      %dma_wait3A_25 = tpu.memref_slice %arg8[%scan3A_19, %dma_wait3A] : memref<125x80xi32, #tpu.memory_space<vmem>> -> memref<1x80xi32, #tpu.memory_space<vmem>>
      %dma_wait3A_26 = tpu.memref_squeeze %dma_wait3A_25 : memref<1x80xi32, #tpu.memory_space<vmem>> -> memref<80xi32, #tpu.memory_space<vmem>>
      %dma_wait3A_27 = arith.constant 0 : i32
      %dma_wait3A_28 = arith.constant 0 : i32
      %dma_wait3A_29 = tpu.memref_slice %arg11[%dma_wait3A_27, %dma_wait3A_28] : memref<10112x8xf32, #tpu.memory_space<vmem_shared>> -> memref<10112x8xf32, #tpu.memory_space<vmem_shared>>
      tpu.wait_indirect_dma semaphore(%arg12 : memref<!tpu.dma_semaphore, #tpu.memory_space<semaphore_mem>>) src(%dma_wait3A_29 : memref<10112x8xf32, #tpu.memory_space<vmem_shared>>) dst(%arg9 : memref<80x8xf32, #tpu.memory_space<vmem>>)
      "tpu.region"() ({
        %run_scoped3A = tpu.sem_alloc : memref<!tpu.dma_semaphore, #tpu.memory_space<semaphore_mem>>
        %dma_start3A_30 = arith.constant 0 : i32
        %dma_start3A_31 = tpu.memref_slice %arg7[%scan3A_19, %dma_start3A_30] : memref<125x80xi32, #tpu.memory_space<vmem>> -> memref<1x80xi32, #tpu.memory_space<vmem>>
        %dma_start3A_32 = tpu.memref_squeeze %dma_start3A_31 : memref<1x80xi32, #tpu.memory_space<vmem>> -> memref<80xi32, #tpu.memory_space<vmem>>
        %dma_start3A_33 = arith.constant 0 : i32
        %dma_start3A_34 = arith.constant 0 : i32
        %dma_start3A_35 = tpu.memref_slice %arg10[%dma_start3A_33, %dma_start3A_34] : memref<10112x8xf32, #tpu.memory_space<vmem_shared>> -> memref<10112x8xf32, #tpu.memory_space<vmem_shared>>
        tpu.enqueue_indirect_dma source(%arg9 : memref<80x8xf32, #tpu.memory_space<vmem>>) target(%dma_start3A_35 : memref<10112x8xf32, #tpu.memory_space<vmem_shared>>) offsets(%dma_start3A_32 : memref<80xi32, #tpu.memory_space<vmem>>) semaphore(%run_scoped3A : memref<!tpu.dma_semaphore, #tpu.memory_space<semaphore_mem>>) {add = true}
        %dma_wait3A_36 = arith.constant 0 : i32
        %dma_wait3A_37 = tpu.memref_slice %arg7[%scan3A_19, %dma_wait3A_36] : memref<125x80xi32, #tpu.memory_space<vmem>> -> memref<1x80xi32, #tpu.memory_space<vmem>>
        %dma_wait3A_38 = tpu.memref_squeeze %dma_wait3A_37 : memref<1x80xi32, #tpu.memory_space<vmem>> -> memref<80xi32, #tpu.memory_space<vmem>>
        %dma_wait3A_39 = arith.constant 0 : i32
        %dma_wait3A_40 = arith.constant 0 : i32
        %dma_wait3A_41 = tpu.memref_slice %arg10[%dma_wait3A_39, %dma_wait3A_40] : memref<10112x8xf32, #tpu.memory_space<vmem_shared>> -> memref<10112x8xf32, #tpu.memory_space<vmem_shared>>
        tpu.wait_indirect_dma semaphore(%run_scoped3A : memref<!tpu.dma_semaphore, #tpu.memory_space<semaphore_mem>>) src(%arg9 : memref<80x8xf32, #tpu.memory_space<vmem>>) dst(%dma_wait3A_41 : memref<10112x8xf32, #tpu.memory_space<vmem_shared>>)
        tpu.yield
      }) : () -> ()
    }
    %scan3A_13 = arith.constant 125 : i32
    %barrier3A_14 = arith.constant 0 : index
    tpu.barrier barrier_id(%barrier3A_14)
    %mul3A_15 = arith.constant 632 : i32
    %mul3A_16 = arith.muli %arg1, %mul3A_15 : i32
    %mul3A_17 = arith.constant 632 : i32
    %mul3A_18 = arith.muli %arg1, %mul3A_17 : i32
    "tpu.region"() ({
      %run_scoped3A = tpu.sem_alloc : memref<!tpu.dma_semaphore, #tpu.memory_space<semaphore_mem>>
      %dma_start3A = arith.constant 0 : i32
      %dma_start3A_19 = tpu.memref_slice %arg6[%arg0, %mul3A_18, %dma_start3A] : memref<2x10112x8xf32, #tpu.memory_space<hbm>> -> memref<1x632x8xf32, #tpu.memory_space<hbm>>
      %dma_start3A_20 = tpu.memref_squeeze %dma_start3A_19 : memref<1x632x8xf32, #tpu.memory_space<hbm>> -> memref<632x8xf32, #tpu.memory_space<hbm>>
      %dma_start3A_21 = arith.constant 0 : i32
      %dma_start3A_22 = tpu.memref_slice %arg10[%mul3A_16, %dma_start3A_21] : memref<10112x8xf32, #tpu.memory_space<vmem_shared>> -> memref<632x8xf32, #tpu.memory_space<vmem_shared>>
      tpu.enqueue_dma source(%dma_start3A_22 : memref<632x8xf32, #tpu.memory_space<vmem_shared>>) target(%dma_start3A_20 : memref<632x8xf32, #tpu.memory_space<hbm>>) target_semaphore(%run_scoped3A : memref<!tpu.dma_semaphore, #tpu.memory_space<semaphore_mem>>)
      %dma_wait3A = arith.constant 0 : i32
      %dma_wait3A_23 = tpu.memref_slice %arg6[%arg0, %mul3A_18, %dma_wait3A] : memref<2x10112x8xf32, #tpu.memory_space<hbm>> -> memref<1x632x8xf32, #tpu.memory_space<hbm>>
      %dma_wait3A_24 = tpu.memref_squeeze %dma_wait3A_23 : memref<1x632x8xf32, #tpu.memory_space<hbm>> -> memref<632x8xf32, #tpu.memory_space<hbm>>
      %dma_wait3A_25 = arith.constant 0 : i32
      %dma_wait3A_26 = tpu.memref_slice %arg10[%mul3A_16, %dma_wait3A_25] : memref<10112x8xf32, #tpu.memory_space<vmem_shared>> -> memref<632x8xf32, #tpu.memory_space<vmem_shared>>
      tpu.wait_dma2 semaphore(%run_scoped3A : memref<!tpu.dma_semaphore, #tpu.memory_space<semaphore_mem>>) src(%dma_wait3A_26 : memref<632x8xf32, #tpu.memory_space<vmem_shared>>) dst(%dma_wait3A_24 : memref<632x8xf32, #tpu.memory_space<hbm>>)
      tpu.yield
    }) : () -> ()
    return
  }
}

#map = affine_map<(d0, d1) -> (0, 0, 0)>
#map1 = affine_map<(d0, d1) -> (0, 0)>
module attributes {stable_mosaic.version = 14 : i64} {
  func.func @body(%arg0: i32, %arg1: i32, %arg2: memref<32x125x80xi32, #tpu.memory_space<hbm>>, %arg3: memref<80x8xf32, #tpu.memory_space<hbm>>, %arg4: memref<10112x8xf32, #tpu.memory_space<hbm>>, %arg5: memref<2x10112x8xf32, #tpu.memory_space<hbm>>, %arg6: memref<125x80xi32, #tpu.memory_space<vmem>>, %arg7: memref<80x8xf32, #tpu.memory_space<vmem>>, %arg8: memref<10112x8xf32, #tpu.memory_space<vmem_shared>>) attributes {dimension_semantics = [#tpu.dimension_semantics<core_parallel>, #tpu.dimension_semantics<subcore_parallel>], iteration_bounds = array<i64: 2, 16>, scalar_prefetch = 0 : i64, scratch_operands = 3 : i64, tpu.core_type = #tpu.core_type<sc_vector_subcore>, window_params = [{transform_indices = #map}, {transform_indices = #map1}, {transform_indices = #map1}, {transform_indices = #map}]} {
    %mul3A = arith.constant 2 : i32
    %mul3A_0 = arith.muli %arg1, %mul3A : i32
    %add3A = arith.addi %mul3A_0, %arg0 : i32
    "tpu.region"() ({
      %run_scoped3A = tpu.sem_alloc : memref<!tpu.dma_semaphore, #tpu.memory_space<semaphore_mem>>
      %dma_start3A = arith.constant 0 : i32
      %dma_start3A_15 = arith.constant 0 : i32
      %dma_start3A_16 = tpu.memref_slice %arg2[%add3A, %dma_start3A, %dma_start3A_15] : memref<32x125x80xi32, #tpu.memory_space<hbm>> -> memref<1x125x80xi32, #tpu.memory_space<hbm>>
      %dma_start3A_17 = tpu.memref_squeeze %dma_start3A_16 : memref<1x125x80xi32, #tpu.memory_space<hbm>> -> memref<125x80xi32, #tpu.memory_space<hbm>>
      %dma_start3A_18 = arith.constant 0 : i32
      %dma_start3A_19 = arith.constant 0 : i32
      %dma_start3A_20 = tpu.memref_slice %arg2[%add3A, %dma_start3A_18, %dma_start3A_19] : memref<32x125x80xi32, #tpu.memory_space<hbm>> -> memref<1x125x80xi32, #tpu.memory_space<hbm>>
      %dma_start3A_21 = tpu.memref_squeeze %dma_start3A_20 : memref<1x125x80xi32, #tpu.memory_space<hbm>> -> memref<125x80xi32, #tpu.memory_space<hbm>>
      tpu.enqueue_dma source(%dma_start3A_21 : memref<125x80xi32, #tpu.memory_space<hbm>>) target(%arg6 : memref<125x80xi32, #tpu.memory_space<vmem>>) target_semaphore(%run_scoped3A : memref<!tpu.dma_semaphore, #tpu.memory_space<semaphore_mem>>)
      %dma_wait3A = arith.constant 0 : i32
      %dma_wait3A_22 = arith.constant 0 : i32
      %dma_wait3A_23 = tpu.memref_slice %arg2[%add3A, %dma_wait3A, %dma_wait3A_22] : memref<32x125x80xi32, #tpu.memory_space<hbm>> -> memref<1x125x80xi32, #tpu.memory_space<hbm>>
      %dma_wait3A_24 = tpu.memref_squeeze %dma_wait3A_23 : memref<1x125x80xi32, #tpu.memory_space<hbm>> -> memref<125x80xi32, #tpu.memory_space<hbm>>
      %dma_wait3A_25 = arith.constant 0 : i32
      %dma_wait3A_26 = arith.constant 0 : i32
      %dma_wait3A_27 = tpu.memref_slice %arg2[%add3A, %dma_wait3A_25, %dma_wait3A_26] : memref<32x125x80xi32, #tpu.memory_space<hbm>> -> memref<1x125x80xi32, #tpu.memory_space<hbm>>
      %dma_wait3A_28 = tpu.memref_squeeze %dma_wait3A_27 : memref<1x125x80xi32, #tpu.memory_space<hbm>> -> memref<125x80xi32, #tpu.memory_space<hbm>>
      tpu.wait_dma2 semaphore(%run_scoped3A : memref<!tpu.dma_semaphore, #tpu.memory_space<semaphore_mem>>) src(%dma_wait3A_28 : memref<125x80xi32, #tpu.memory_space<hbm>>) dst(%arg6 : memref<125x80xi32, #tpu.memory_space<vmem>>)
      tpu.yield
    }) : () -> ()
    "tpu.region"() ({
      %run_scoped3A = tpu.sem_alloc : memref<!tpu.dma_semaphore, #tpu.memory_space<semaphore_mem>>
      tpu.enqueue_dma source(%arg3 : memref<80x8xf32, #tpu.memory_space<hbm>>) target(%arg7 : memref<80x8xf32, #tpu.memory_space<vmem>>) target_semaphore(%run_scoped3A : memref<!tpu.dma_semaphore, #tpu.memory_space<semaphore_mem>>)
      tpu.wait_dma2 semaphore(%run_scoped3A : memref<!tpu.dma_semaphore, #tpu.memory_space<semaphore_mem>>) src(%arg3 : memref<80x8xf32, #tpu.memory_space<hbm>>) dst(%arg7 : memref<80x8xf32, #tpu.memory_space<vmem>>)
      tpu.yield
    }) : () -> ()
    %mul3A_1 = arith.constant 632 : i32
    %mul3A_2 = arith.muli %arg1, %mul3A_1 : i32
    %mul3A_3 = arith.constant 632 : i32
    %mul3A_4 = arith.muli %arg1, %mul3A_3 : i32
    "tpu.region"() ({
      %run_scoped3A = tpu.sem_alloc : memref<!tpu.dma_semaphore, #tpu.memory_space<semaphore_mem>>
      %dma_start3A = arith.constant 0 : i32
      %dma_start3A_15 = tpu.memref_slice %arg8[%mul3A_4, %dma_start3A] : memref<10112x8xf32, #tpu.memory_space<vmem_shared>> -> memref<632x8xf32, #tpu.memory_space<vmem_shared>>
      %dma_start3A_16 = arith.constant 0 : i32
      %dma_start3A_17 = tpu.memref_slice %arg4[%mul3A_2, %dma_start3A_16] : memref<10112x8xf32, #tpu.memory_space<hbm>> -> memref<632x8xf32, #tpu.memory_space<hbm>>
      tpu.enqueue_dma source(%dma_start3A_17 : memref<632x8xf32, #tpu.memory_space<hbm>>) target(%dma_start3A_15 : memref<632x8xf32, #tpu.memory_space<vmem_shared>>) target_semaphore(%run_scoped3A : memref<!tpu.dma_semaphore, #tpu.memory_space<semaphore_mem>>)
      %dma_wait3A = arith.constant 0 : i32
      %dma_wait3A_18 = tpu.memref_slice %arg8[%mul3A_4, %dma_wait3A] : memref<10112x8xf32, #tpu.memory_space<vmem_shared>> -> memref<632x8xf32, #tpu.memory_space<vmem_shared>>
      %dma_wait3A_19 = arith.constant 0 : i32
      %dma_wait3A_20 = tpu.memref_slice %arg4[%mul3A_2, %dma_wait3A_19] : memref<10112x8xf32, #tpu.memory_space<hbm>> -> memref<632x8xf32, #tpu.memory_space<hbm>>
      tpu.wait_dma2 semaphore(%run_scoped3A : memref<!tpu.dma_semaphore, #tpu.memory_space<semaphore_mem>>) src(%dma_wait3A_20 : memref<632x8xf32, #tpu.memory_space<hbm>>) dst(%dma_wait3A_18 : memref<632x8xf32, #tpu.memory_space<vmem_shared>>)
      tpu.yield
    }) : () -> ()
    %barrier3A = arith.constant 0 : index
    tpu.barrier barrier_id(%barrier3A)
    %scan3A = arith.constant 0 : i32
    %scan3A_5 = arith.constant 0 : i32
    %scan3A_6 = arith.constant 125 : i32
    %scan3A_7 = arith.addi %scan3A_5, %scan3A_6 : i32
    %scan3A_8 = arith.constant 1 : i32
    scf.for %scan3A_15 = %scan3A_5 to %scan3A_7 step %scan3A_8  : i32 {
      "tpu.region"() ({
        %run_scoped3A = tpu.sem_alloc : memref<!tpu.dma_semaphore, #tpu.memory_space<semaphore_mem>>
        %dma_start3A = arith.constant 0 : i32
        %dma_start3A_16 = tpu.memref_slice %arg6[%scan3A_15, %dma_start3A] : memref<125x80xi32, #tpu.memory_space<vmem>> -> memref<1x80xi32, #tpu.memory_space<vmem>>
        %dma_start3A_17 = tpu.memref_squeeze %dma_start3A_16 : memref<1x80xi32, #tpu.memory_space<vmem>> -> memref<80xi32, #tpu.memory_space<vmem>>
        %dma_start3A_18 = arith.constant 0 : i32
        %dma_start3A_19 = arith.constant 0 : i32
        %dma_start3A_20 = tpu.memref_slice %arg8[%dma_start3A_18, %dma_start3A_19] : memref<10112x8xf32, #tpu.memory_space<vmem_shared>> -> memref<10112x8xf32, #tpu.memory_space<vmem_shared>>
        tpu.enqueue_indirect_dma source(%arg7 : memref<80x8xf32, #tpu.memory_space<vmem>>) target(%dma_start3A_20 : memref<10112x8xf32, #tpu.memory_space<vmem_shared>>) offsets(%dma_start3A_17 : memref<80xi32, #tpu.memory_space<vmem>>) semaphore(%run_scoped3A : memref<!tpu.dma_semaphore, #tpu.memory_space<semaphore_mem>>) {add = true}
        %dma_wait3A = arith.constant 0 : i32
        %dma_wait3A_21 = tpu.memref_slice %arg6[%scan3A_15, %dma_wait3A] : memref<125x80xi32, #tpu.memory_space<vmem>> -> memref<1x80xi32, #tpu.memory_space<vmem>>
        %dma_wait3A_22 = tpu.memref_squeeze %dma_wait3A_21 : memref<1x80xi32, #tpu.memory_space<vmem>> -> memref<80xi32, #tpu.memory_space<vmem>>
        %dma_wait3A_23 = arith.constant 0 : i32
        %dma_wait3A_24 = arith.constant 0 : i32
        %dma_wait3A_25 = tpu.memref_slice %arg8[%dma_wait3A_23, %dma_wait3A_24] : memref<10112x8xf32, #tpu.memory_space<vmem_shared>> -> memref<10112x8xf32, #tpu.memory_space<vmem_shared>>
        tpu.wait_indirect_dma semaphore(%run_scoped3A : memref<!tpu.dma_semaphore, #tpu.memory_space<semaphore_mem>>) src(%arg7 : memref<80x8xf32, #tpu.memory_space<vmem>>) dst(%dma_wait3A_25 : memref<10112x8xf32, #tpu.memory_space<vmem_shared>>)
        tpu.yield
      }) : () -> ()
    }
    %scan3A_9 = arith.constant 125 : i32
    %barrier3A_10 = arith.constant 0 : index
    tpu.barrier barrier_id(%barrier3A_10)
    %mul3A_11 = arith.constant 632 : i32
    %mul3A_12 = arith.muli %arg1, %mul3A_11 : i32
    %mul3A_13 = arith.constant 632 : i32
    %mul3A_14 = arith.muli %arg1, %mul3A_13 : i32
    "tpu.region"() ({
      %run_scoped3A = tpu.sem_alloc : memref<!tpu.dma_semaphore, #tpu.memory_space<semaphore_mem>>
      %dma_start3A = arith.constant 0 : i32
      %dma_start3A_15 = tpu.memref_slice %arg5[%arg0, %mul3A_14, %dma_start3A] : memref<2x10112x8xf32, #tpu.memory_space<hbm>> -> memref<1x632x8xf32, #tpu.memory_space<hbm>>
      %dma_start3A_16 = tpu.memref_squeeze %dma_start3A_15 : memref<1x632x8xf32, #tpu.memory_space<hbm>> -> memref<632x8xf32, #tpu.memory_space<hbm>>
      %dma_start3A_17 = arith.constant 0 : i32
      %dma_start3A_18 = tpu.memref_slice %arg8[%mul3A_12, %dma_start3A_17] : memref<10112x8xf32, #tpu.memory_space<vmem_shared>> -> memref<632x8xf32, #tpu.memory_space<vmem_shared>>
      tpu.enqueue_dma source(%dma_start3A_18 : memref<632x8xf32, #tpu.memory_space<vmem_shared>>) target(%dma_start3A_16 : memref<632x8xf32, #tpu.memory_space<hbm>>) target_semaphore(%run_scoped3A : memref<!tpu.dma_semaphore, #tpu.memory_space<semaphore_mem>>)
      %dma_wait3A = arith.constant 0 : i32
      %dma_wait3A_19 = tpu.memref_slice %arg5[%arg0, %mul3A_14, %dma_wait3A] : memref<2x10112x8xf32, #tpu.memory_space<hbm>> -> memref<1x632x8xf32, #tpu.memory_space<hbm>>
      %dma_wait3A_20 = tpu.memref_squeeze %dma_wait3A_19 : memref<1x632x8xf32, #tpu.memory_space<hbm>> -> memref<632x8xf32, #tpu.memory_space<hbm>>
      %dma_wait3A_21 = arith.constant 0 : i32
      %dma_wait3A_22 = tpu.memref_slice %arg8[%mul3A_12, %dma_wait3A_21] : memref<10112x8xf32, #tpu.memory_space<vmem_shared>> -> memref<632x8xf32, #tpu.memory_space<vmem_shared>>
      tpu.wait_dma2 semaphore(%run_scoped3A : memref<!tpu.dma_semaphore, #tpu.memory_space<semaphore_mem>>) src(%dma_wait3A_22 : memref<632x8xf32, #tpu.memory_space<vmem_shared>>) dst(%dma_wait3A_20 : memref<632x8xf32, #tpu.memory_space<hbm>>)
      tpu.yield
    }) : () -> ()
    return
  }
}

module attributes {stable_mosaic.version = 14 : i64} {
  func.func @_prolog_body(%arg0: i32, %arg1: memref<2000x128xf32, #tpu.memory_space<vmem>>, %arg2: memref<128x128xf32, #tpu.memory_space<vmem>>, %arg3: memref<1x128xf32, #tpu.memory_space<vmem>>, %arg4: memref<1x128xf32, #tpu.memory_space<vmem>>, %arg5: memref<1x128xf32, #tpu.memory_space<vmem>>, %arg6: memref<2000x128xf32, #tpu.memory_space<vmem>>, %arg7: memref<2000x128xf32, #tpu.memory_space<vmem>>, %arg8: memref<2000x1xf32, #tpu.memory_space<vmem>>) attributes {dimension_semantics = [#tpu.dimension_semantics<arbitrary>], iteration_bounds = array<i64: 5>, scalar_prefetch = 0 : i64, scratch_operands = 0 : i64, tpu.core_type = #tpu.core_type<tc>, window_params = [{transform_indices = @transform_0, window_bounds = array<i64: 2000, 128>}, {pipeline_mode = #tpu.pipeline_mode<synchronous>, transform_indices = @transform_1, window_bounds = array<i64: 128, 128>}, {pipeline_mode = #tpu.pipeline_mode<synchronous>, transform_indices = @transform_2, window_bounds = array<i64: 1, 128>}, {pipeline_mode = #tpu.pipeline_mode<synchronous>, transform_indices = @transform_3, window_bounds = array<i64: 1, 128>}, {pipeline_mode = #tpu.pipeline_mode<synchronous>, transform_indices = @transform_4, window_bounds = array<i64: 1, 128>}, {transform_indices = @transform_5, window_bounds = array<i64: 2000, 128>}, {transform_indices = @transform_6, window_bounds = array<i64: 2000, 128>}, {transform_indices = @transform_7, window_bounds = array<i64: 2000, 1>}]} {
    %get3A = arith.constant 0 : index
    %get3A_0 = arith.constant 0 : index
    %get3A_1 = vector.load %arg1[%get3A, %get3A_0] : memref<2000x128xf32, #tpu.memory_space<vmem>>, vector<2000x128xf32>
    %get3A_2 = arith.constant 0 : index
    %get3A_3 = arith.constant 0 : index
    %get3A_4 = vector.load %arg2[%get3A_2, %get3A_3] : memref<128x128xf32, #tpu.memory_space<vmem>>, vector<128x128xf32>
    %dot_general3A = arith.constant dense<0.000000e+00> : vector<2000x128xf32>
    %dot_general3A_5 = tpu.matmul %get3A_1, %get3A_4, %dot_general3A {dimension_numbers = #tpu.dot_dimension_numbers<[1], [0], [0], [1], [0, 0, 1, 1], [], []>, transpose_lhs_hint = false} : vector<2000x128xf32>, vector<128x128xf32>, vector<2000x128xf32> -> vector<2000x128xf32>
    %get3A_6 = arith.constant 0 : index
    %get3A_7 = arith.constant 0 : index
    %get3A_8 = vector.load %arg3[%get3A_6, %get3A_7] : memref<1x128xf32, #tpu.memory_space<vmem>>, vector<1x128xf32>
    %add3A = vector.broadcast %get3A_8 : vector<1x128xf32> to vector<2000x128xf32>
    %add3A_9 = arith.addf %dot_general3A_5, %add3A : vector<2000x128xf32>
    %max3A = arith.constant 0.000000e+00 : f32
    %max3A_10 = vector.broadcast %max3A : f32 to vector<2000x128xf32>
    %max3A_11 = arith.maximumf %add3A_9, %max3A_10 : vector<2000x128xf32>
    %reduce_sum3A = arith.constant dense<0.000000e+00> : vector<2000xf32>
    %reduce_sum3A_12 = vector.multi_reduction <add>, %max3A_11, %reduce_sum3A [1] : vector<2000x128xf32> to vector<2000xf32>
    %broadcast_in_dim3A = vector.shape_cast %reduce_sum3A_12 : vector<2000xf32> to vector<2000x1xf32>
    %div3A = arith.constant 1.280000e+02 : f32
    %div3A_13 = vector.broadcast %div3A : f32 to vector<2000x1xf32>
    %div3A_14 = arith.divf %broadcast_in_dim3A, %div3A_13 : vector<2000x1xf32>
    %sub3A = vector.broadcast %div3A_14 : vector<2000x1xf32> to vector<2000x128xf32>
    %sub3A_15 = arith.subf %max3A_11, %sub3A : vector<2000x128xf32>
    %integer_pow3A = arith.mulf %sub3A_15, %sub3A_15 : vector<2000x128xf32>
    %reduce_sum3A_16 = arith.constant dense<0.000000e+00> : vector<2000xf32>
    %reduce_sum3A_17 = vector.multi_reduction <add>, %integer_pow3A, %reduce_sum3A_16 [1] : vector<2000x128xf32> to vector<2000xf32>
    %broadcast_in_dim3A_18 = vector.shape_cast %reduce_sum3A_17 : vector<2000xf32> to vector<2000x1xf32>
    %div3A_19 = arith.constant 1.280000e+02 : f32
    %div3A_20 = vector.broadcast %div3A_19 : f32 to vector<2000x1xf32>
    %div3A_21 = arith.divf %broadcast_in_dim3A_18, %div3A_20 : vector<2000x1xf32>
    %sub3A_22 = vector.broadcast %div3A_14 : vector<2000x1xf32> to vector<2000x128xf32>
    %sub3A_23 = arith.subf %max3A_11, %sub3A_22 : vector<2000x128xf32>
    %add3A_24 = arith.constant 9.99999974E-6 : f32
    %add3A_25 = vector.broadcast %add3A_24 : f32 to vector<2000x1xf32>
    %add3A_26 = arith.addf %div3A_21, %add3A_25 : vector<2000x1xf32>
    %sqrt3A = math.sqrt %add3A_26 : vector<2000x1xf32>
    %div3A_27 = vector.broadcast %sqrt3A : vector<2000x1xf32> to vector<2000x128xf32>
    %div3A_28 = arith.divf %sub3A_23, %div3A_27 : vector<2000x128xf32>
    %get3A_29 = arith.constant 0 : index
    %get3A_30 = arith.constant 0 : index
    %get3A_31 = vector.load %arg4[%get3A_29, %get3A_30] : memref<1x128xf32, #tpu.memory_space<vmem>>, vector<1x128xf32>
    %mul3A = vector.broadcast %get3A_31 : vector<1x128xf32> to vector<2000x128xf32>
    %mul3A_32 = arith.mulf %div3A_28, %mul3A : vector<2000x128xf32>
    %get3A_33 = arith.constant 0 : index
    %get3A_34 = arith.constant 0 : index
    %get3A_35 = vector.load %arg5[%get3A_33, %get3A_34] : memref<1x128xf32, #tpu.memory_space<vmem>>, vector<1x128xf32>
    %add3A_36 = vector.broadcast %get3A_35 : vector<1x128xf32> to vector<2000x128xf32>
    %add3A_37 = arith.addf %mul3A_32, %add3A_36 : vector<2000x128xf32>
    %mul3A_38 = arith.mulf %add3A_37, %add3A_37 : vector<2000x128xf32>
    %reduce_sum3A_39 = arith.constant dense<0.000000e+00> : vector<2000xf32>
    %reduce_sum3A_40 = vector.multi_reduction <add>, %mul3A_38, %reduce_sum3A_39 [1] : vector<2000x128xf32> to vector<2000xf32>
    %broadcast_in_dim3A_41 = vector.shape_cast %reduce_sum3A_40 : vector<2000xf32> to vector<2000x1xf32>
    %sqrt3A_42 = math.sqrt %broadcast_in_dim3A_41 : vector<2000x1xf32>
    %add3A_43 = arith.constant 9.99999974E-5 : f32
    %add3A_44 = vector.broadcast %add3A_43 : f32 to vector<2000x1xf32>
    %add3A_45 = arith.addf %sqrt3A_42, %add3A_44 : vector<2000x1xf32>
    %div3A_46 = arith.constant 1.000000e+00 : f32
    %div3A_47 = vector.broadcast %div3A_46 : f32 to vector<2000x1xf32>
    %div3A_48 = arith.divf %div3A_47, %add3A_45 : vector<2000x1xf32>
    %swap3A = arith.constant 0 : index
    %swap3A_49 = arith.constant 0 : index
    %swap3A_50 = vector.load %arg6[%swap3A, %swap3A_49] : memref<2000x128xf32, #tpu.memory_space<vmem>>, vector<2000x128xf32>
    tpu.vector_store %arg6[%swap3A, %swap3A_49], %add3A_37 {strides = array<i32>} : memref<2000x128xf32, #tpu.memory_space<vmem>>, vector<2000x128xf32>,
    %mul3A_51 = vector.broadcast %div3A_48 : vector<2000x1xf32> to vector<2000x128xf32>
    %mul3A_52 = arith.mulf %add3A_37, %mul3A_51 : vector<2000x128xf32>
    %swap3A_53 = arith.constant 0 : index
    %swap3A_54 = arith.constant 0 : index
    %swap3A_55 = vector.load %arg7[%swap3A_53, %swap3A_54] : memref<2000x128xf32, #tpu.memory_space<vmem>>, vector<2000x128xf32>
    tpu.vector_store %arg7[%swap3A_53, %swap3A_54], %mul3A_52 {strides = array<i32>} : memref<2000x128xf32, #tpu.memory_space<vmem>>, vector<2000x128xf32>,
    %swap3A_56 = arith.constant 0 : index
    %swap3A_57 = arith.constant 0 : index
    %swap3A_58 = vector.load %arg8[%swap3A_56, %swap3A_57] : memref<2000x1xf32, #tpu.memory_space<vmem>>, vector<2000x1xf32>
    tpu.vector_store %arg8[%swap3A_56, %swap3A_57], %div3A_48 {strides = array<i32>} : memref<2000x1xf32, #tpu.memory_space<vmem>>, vector<2000x1xf32>,
    return
  }
  func.func @transform_0(%arg0: i32) -> (i32, i32) {
    %c0_i32 = arith.constant 0 : i32
    %c0_i32_0 = arith.constant 0 : i32
    return %arg0, %c0_i32 : i32, i32
  }
  func.func @transform_1(%arg0: i32) -> (i32, i32) {
    %c0_i32 = arith.constant 0 : i32
    %c0_i32_0 = arith.constant 0 : i32
    %c0_i32_1 = arith.constant 0 : i32
    return %c0_i32, %c0_i32_0 : i32, i32
  }
  func.func @transform_2(%arg0: i32) -> (i32, i32) {
    %c0_i32 = arith.constant 0 : i32
    %c0_i32_0 = arith.constant 0 : i32
    %c0_i32_1 = arith.constant 0 : i32
    return %c0_i32, %c0_i32_0 : i32, i32
  }
  func.func @transform_3(%arg0: i32) -> (i32, i32) {
    %c0_i32 = arith.constant 0 : i32
    %c0_i32_0 = arith.constant 0 : i32
    %c0_i32_1 = arith.constant 0 : i32
    return %c0_i32, %c0_i32_0 : i32, i32
  }
  func.func @transform_4(%arg0: i32) -> (i32, i32) {
    %c0_i32 = arith.constant 0 : i32
    %c0_i32_0 = arith.constant 0 : i32
    %c0_i32_1 = arith.constant 0 : i32
    return %c0_i32, %c0_i32_0 : i32, i32
  }
  func.func @transform_5(%arg0: i32) -> (i32, i32) {
    %c0_i32 = arith.constant 0 : i32
    %c0_i32_0 = arith.constant 0 : i32
    return %arg0, %c0_i32 : i32, i32
  }
  func.func @transform_6(%arg0: i32) -> (i32, i32) {
    %c0_i32 = arith.constant 0 : i32
    %c0_i32_0 = arith.constant 0 : i32
    return %arg0, %c0_i32 : i32, i32
  }
  func.func @transform_7(%arg0: i32) -> (i32, i32) {
    %c0_i32 = arith.constant 0 : i32
    %c0_i32_0 = arith.constant 0 : i32
    return %arg0, %c0_i32 : i32, i32
  }
}

module attributes {stable_mosaic.version = 14 : i64} {
  func.func @_scale_body(%arg0: i32, %arg1: memref<2000x8xf32, #tpu.memory_space<vmem>>, %arg2: memref<2000x8xf32, #tpu.memory_space<vmem>>, %arg3: memref<2000x128xf32, #tpu.memory_space<vmem>>, %arg4: memref<2000x1xf32, #tpu.memory_space<vmem>>, %arg5: memref<2000x128xf32, #tpu.memory_space<vmem>>) attributes {dimension_semantics = [#tpu.dimension_semantics<arbitrary>], iteration_bounds = array<i64: 5>, scalar_prefetch = 0 : i64, scratch_operands = 0 : i64, tpu.core_type = #tpu.core_type<tc>, window_params = [{transform_indices = @transform_0, window_bounds = array<i64: 2000, 8>}, {transform_indices = @transform_1, window_bounds = array<i64: 2000, 8>}, {transform_indices = @transform_2, window_bounds = array<i64: 2000, 128>}, {transform_indices = @transform_3, window_bounds = array<i64: 2000, 1>}, {transform_indices = @transform_4, window_bounds = array<i64: 2000, 128>}]} {
    %get3A = arith.constant 0 : index
    %get3A_0 = arith.constant 0 : index
    %get3A_1 = vector.load %arg1[%get3A, %get3A_0] : memref<2000x8xf32, #tpu.memory_space<vmem>>, vector<2000x1xf32>
    %get3A_2 = arith.constant 0 : index
    %get3A_3 = arith.constant 0 : index
    %get3A_4 = vector.load %arg2[%get3A_2, %get3A_3] : memref<2000x8xf32, #tpu.memory_space<vmem>>, vector<2000x1xf32>
    %add3A = arith.addf %get3A_1, %get3A_4 : vector<2000x1xf32>
    %gt3A = arith.constant 0.000000e+00 : f32
    %gt3A_5 = vector.broadcast %gt3A : f32 to vector<2000x1xf32>
    %gt3A_6 = arith.cmpf ogt, %add3A, %gt3A_5 : vector<2000x1xf32>
    %sqrt3A = math.sqrt %add3A : vector<2000x1xf32>
    %div3A = arith.constant 1.000000e+00 : f32
    %div3A_7 = vector.broadcast %div3A : f32 to vector<2000x1xf32>
    %div3A_8 = arith.divf %div3A_7, %sqrt3A : vector<2000x1xf32>
    %jit3A = arith.constant 0.000000e+00 : f32
    %broadcast_in_dim3A = vector.broadcast %jit3A : f32 to vector<2000x1xf32>
    %select_n3A = arith.select %gt3A_6, %div3A_8, %broadcast_in_dim3A : vector<2000x1xi1>, vector<2000x1xf32>
    %swap3A = arith.constant 0 : index
    %swap3A_9 = arith.constant 0 : index
    %swap3A_10 = vector.load %arg4[%swap3A, %swap3A_9] : memref<2000x1xf32, #tpu.memory_space<vmem>>, vector<2000x1xf32>
    tpu.vector_store %arg4[%swap3A, %swap3A_9], %select_n3A {strides = array<i32>} : memref<2000x1xf32, #tpu.memory_space<vmem>>, vector<2000x1xf32>,
    %get3A_11 = arith.constant 0 : index
    %get3A_12 = arith.constant 0 : index
    %get3A_13 = vector.load %arg3[%get3A_11, %get3A_12] : memref<2000x128xf32, #tpu.memory_space<vmem>>, vector<2000x128xf32>
    %mul3A = vector.broadcast %select_n3A : vector<2000x1xf32> to vector<2000x128xf32>
    %mul3A_14 = arith.mulf %get3A_13, %mul3A : vector<2000x128xf32>
    %swap3A_15 = arith.constant 0 : index
    %swap3A_16 = arith.constant 0 : index
    %swap3A_17 = vector.load %arg5[%swap3A_15, %swap3A_16] : memref<2000x128xf32, #tpu.memory_space<vmem>>, vector<2000x128xf32>
    tpu.vector_store %arg5[%swap3A_15, %swap3A_16], %mul3A_14 {strides = array<i32>} : memref<2000x128xf32, #tpu.memory_space<vmem>>, vector<2000x128xf32>,
    return
  }
  func.func @transform_0(%arg0: i32) -> (i32, i32) {
    %c0_i32 = arith.constant 0 : i32
    %c0_i32_0 = arith.constant 0 : i32
    return %arg0, %c0_i32 : i32, i32
  }
  func.func @transform_1(%arg0: i32) -> (i32, i32) {
    %c0_i32 = arith.constant 0 : i32
    %c0_i32_0 = arith.constant 0 : i32
    return %arg0, %c0_i32 : i32, i32
  }
  func.func @transform_2(%arg0: i32) -> (i32, i32) {
    %c0_i32 = arith.constant 0 : i32
    %c0_i32_0 = arith.constant 0 : i32
    return %arg0, %c0_i32 : i32, i32
  }
  func.func @transform_3(%arg0: i32) -> (i32, i32) {
    %c0_i32 = arith.constant 0 : i32
    %c0_i32_0 = arith.constant 0 : i32
    return %arg0, %c0_i32 : i32, i32
  }
  func.func @transform_4(%arg0: i32) -> (i32, i32) {
    %c0_i32 = arith.constant 0 : i32
    %c0_i32_0 = arith.constant 0 : i32
    return %arg0, %c0_i32 : i32, i32
  }
}

module attributes {stable_mosaic.version = 14 : i64} {
  func.func @_layer1_body(%arg0: i32, %arg1: memref<2000x128xf32, #tpu.memory_space<vmem>>, %arg2: memref<2000x128xf32, #tpu.memory_space<vmem>>, %arg3: memref<2000x128xf32, #tpu.memory_space<vmem>>, %arg4: memref<2000x128xf32, #tpu.memory_space<vmem>>, %arg5: memref<2000x1xf32, #tpu.memory_space<vmem>>, %arg6: memref<2000x1xf32, #tpu.memory_space<vmem>>, %arg7: memref<2000x8xf32, #tpu.memory_space<vmem>>, %arg8: memref<2000x2xf32, #tpu.memory_space<vmem>>, %arg9: memref<2000x1xf32, #tpu.memory_space<vmem>>) attributes {dimension_semantics = [#tpu.dimension_semantics<arbitrary>], iteration_bounds = array<i64: 5>, scalar_prefetch = 0 : i64, scratch_operands = 0 : i64, tpu.core_type = #tpu.core_type<tc>, window_params = [{transform_indices = @transform_0, window_bounds = array<i64: 2000, 128>}, {transform_indices = @transform_1, window_bounds = array<i64: 2000, 128>}, {transform_indices = @transform_2, window_bounds = array<i64: 2000, 128>}, {transform_indices = @transform_3, window_bounds = array<i64: 2000, 128>}, {transform_indices = @transform_4, window_bounds = array<i64: 2000, 1>}, {transform_indices = @transform_5, window_bounds = array<i64: 2000, 1>}, {transform_indices = @transform_6, window_bounds = array<i64: 2000, 8>}, {transform_indices = @transform_7, window_bounds = array<i64: 2000, 2>}, {transform_indices = @transform_8, window_bounds = array<i64: 2000, 1>}]} {
    %get3A = arith.constant 0 : index
    %get3A_0 = arith.constant 0 : index
    %get3A_1 = vector.load %arg1[%get3A, %get3A_0] : memref<2000x128xf32, #tpu.memory_space<vmem>>, vector<2000x128xf32>
    %get3A_2 = arith.constant 0 : index
    %get3A_3 = arith.constant 0 : index
    %get3A_4 = vector.load %arg2[%get3A_2, %get3A_3] : memref<2000x128xf32, #tpu.memory_space<vmem>>, vector<2000x128xf32>
    %get3A_5 = arith.constant 0 : index
    %get3A_6 = arith.constant 0 : index
    %get3A_7 = vector.load %arg3[%get3A_5, %get3A_6] : memref<2000x128xf32, #tpu.memory_space<vmem>>, vector<2000x128xf32>
    %add3A = arith.addf %get3A_4, %get3A_7 : vector<2000x128xf32>
    %get3A_8 = arith.constant 0 : index
    %get3A_9 = arith.constant 0 : index
    %get3A_10 = vector.load %arg4[%get3A_8, %get3A_9] : memref<2000x128xf32, #tpu.memory_space<vmem>>, vector<2000x128xf32>
    %get3A_11 = arith.constant 0 : index
    %get3A_12 = arith.constant 0 : index
    %get3A_13 = vector.load %arg5[%get3A_11, %get3A_12] : memref<2000x1xf32, #tpu.memory_space<vmem>>, vector<2000x1xf32>
    %get3A_14 = arith.constant 0 : index
    %get3A_15 = arith.constant 0 : index
    %get3A_16 = vector.load %arg6[%get3A_14, %get3A_15] : memref<2000x1xf32, #tpu.memory_space<vmem>>, vector<2000x1xf32>
    %mul3A = arith.mulf %get3A_1, %add3A : vector<2000x128xf32>
    %reduce_sum3A = arith.constant dense<0.000000e+00> : vector<2000xf32>
    %reduce_sum3A_17 = vector.multi_reduction <add>, %mul3A, %reduce_sum3A [1] : vector<2000x128xf32> to vector<2000xf32>
    %broadcast_in_dim3A = vector.shape_cast %reduce_sum3A_17 : vector<2000xf32> to vector<2000x1xf32>
    %iota3A = tpu.iota {dimensions = array<i32: 1>} : vector<2000x128xi32>
    %lt3A = arith.constant 2 : i32
    %lt3A_18 = vector.broadcast %lt3A : i32 to vector<2000x128xi32>
    %lt3A_19 = arith.cmpi slt, %iota3A, %lt3A_18 : vector<2000x128xi32>
    %jit3A = arith.constant 0.000000e+00 : f32
    %broadcast_in_dim3A_20 = vector.broadcast %jit3A : f32 to vector<2000x128xf32>
    %select_n3A = arith.select %lt3A_19, %mul3A, %broadcast_in_dim3A_20 : vector<2000x128xi1>, vector<2000x128xf32>
    %reduce_sum3A_21 = arith.constant dense<0.000000e+00> : vector<2000xf32>
    %reduce_sum3A_22 = vector.multi_reduction <add>, %select_n3A, %reduce_sum3A_21 [1] : vector<2000x128xf32> to vector<2000xf32>
    %broadcast_in_dim3A_23 = vector.shape_cast %reduce_sum3A_22 : vector<2000xf32> to vector<2000x1xf32>
    %sub3A = arith.subf %broadcast_in_dim3A, %broadcast_in_dim3A_23 : vector<2000x1xf32>
    %mul3A_24 = arith.mulf %get3A_13, %broadcast_in_dim3A : vector<2000x1xf32>
    %cos3A = math.cos %mul3A_24 : vector<2000x1xf32>
    %sin3A = math.sin %mul3A_24 : vector<2000x1xf32>
    %eq3A = arith.constant 0 : i32
    %eq3A_25 = vector.broadcast %eq3A : i32 to vector<2000x128xi32>
    %eq3A_26 = arith.cmpi eq, %iota3A, %eq3A_25 : vector<2000x128xi32>
    %jit3A_27 = arith.constant 0.000000e+00 : f32
    %broadcast_in_dim3A_28 = vector.broadcast %jit3A_27 : f32 to vector<2000x128xf32>
    %select_n3A_29 = arith.select %eq3A_26, %get3A_10, %broadcast_in_dim3A_28 : vector<2000x128xi1>, vector<2000x128xf32>
    %reduce_sum3A_30 = arith.constant dense<0.000000e+00> : vector<2000xf32>
    %reduce_sum3A_31 = vector.multi_reduction <add>, %select_n3A_29, %reduce_sum3A_30 [1] : vector<2000x128xf32> to vector<2000xf32>
    %broadcast_in_dim3A_32 = vector.shape_cast %reduce_sum3A_31 : vector<2000xf32> to vector<2000x1xf32>
    %eq3A_33 = arith.constant 1 : i32
    %eq3A_34 = vector.broadcast %eq3A_33 : i32 to vector<2000x128xi32>
    %eq3A_35 = arith.cmpi eq, %iota3A, %eq3A_34 : vector<2000x128xi32>
    %jit3A_36 = arith.constant 0.000000e+00 : f32
    %broadcast_in_dim3A_37 = vector.broadcast %jit3A_36 : f32 to vector<2000x128xf32>
    %select_n3A_38 = arith.select %eq3A_35, %get3A_10, %broadcast_in_dim3A_37 : vector<2000x128xi1>, vector<2000x128xf32>
    %reduce_sum3A_39 = arith.constant dense<0.000000e+00> : vector<2000xf32>
    %reduce_sum3A_40 = vector.multi_reduction <add>, %select_n3A_38, %reduce_sum3A_39 [1] : vector<2000x128xf32> to vector<2000xf32>
    %broadcast_in_dim3A_41 = vector.shape_cast %reduce_sum3A_40 : vector<2000xf32> to vector<2000x1xf32>
    %mul3A_42 = arith.mulf %broadcast_in_dim3A_32, %cos3A : vector<2000x1xf32>
    %mul3A_43 = arith.mulf %broadcast_in_dim3A_41, %sin3A : vector<2000x1xf32>
    %sub3A_44 = arith.subf %mul3A_42, %mul3A_43 : vector<2000x1xf32>
    %mul3A_45 = arith.mulf %broadcast_in_dim3A_32, %sin3A : vector<2000x1xf32>
    %mul3A_46 = arith.mulf %broadcast_in_dim3A_41, %cos3A : vector<2000x1xf32>
    %add3A_47 = arith.addf %mul3A_45, %mul3A_46 : vector<2000x1xf32>
    %mul3A_48 = arith.mulf %get3A_16, %get3A_13 : vector<2000x1xf32>
    %iota3A_49 = tpu.iota {dimensions = array<i32: 1>} : vector<2000x8xi32>
    %eq3A_50 = arith.constant 0 : i32
    %eq3A_51 = vector.broadcast %eq3A_50 : i32 to vector<2000x8xi32>
    %eq3A_52 = arith.cmpi eq, %iota3A_49, %eq3A_51 : vector<2000x8xi32>
    %mul3A_53 = arith.mulf %sub3A_44, %mul3A_48 : vector<2000x1xf32>
    %eq3A_54 = arith.constant 1 : i32
    %eq3A_55 = vector.broadcast %eq3A_54 : i32 to vector<2000x8xi32>
    %eq3A_56 = arith.cmpi eq, %iota3A_49, %eq3A_55 : vector<2000x8xi32>
    %mul3A_57 = arith.mulf %add3A_47, %mul3A_48 : vector<2000x1xf32>
    %jit3A_58 = arith.constant 0.000000e+00 : f32
    %broadcast_in_dim3A_59 = vector.shape_cast %mul3A_57 : vector<2000x1xf32> to vector<2000x1xf32>
    %broadcast_in_dim3A_60 = vector.broadcast %broadcast_in_dim3A_59 : vector<2000x1xf32> to vector<2000x8xf32>
    %broadcast_in_dim3A_61 = vector.broadcast %jit3A_58 : f32 to vector<2000x8xf32>
    %select_n3A_62 = arith.select %eq3A_56, %broadcast_in_dim3A_60, %broadcast_in_dim3A_61 : vector<2000x8xi1>, vector<2000x8xf32>
    %broadcast_in_dim3A_63 = vector.shape_cast %mul3A_53 : vector<2000x1xf32> to vector<2000x1xf32>
    %broadcast_in_dim3A_64 = vector.broadcast %broadcast_in_dim3A_63 : vector<2000x1xf32> to vector<2000x8xf32>
    %select_n3A_65 = arith.select %eq3A_52, %broadcast_in_dim3A_64, %select_n3A_62 : vector<2000x8xi1>, vector<2000x8xf32>
    %swap3A = arith.constant 0 : index
    %swap3A_66 = arith.constant 0 : index
    %swap3A_67 = vector.load %arg7[%swap3A, %swap3A_66] : memref<2000x8xf32, #tpu.memory_space<vmem>>, vector<2000x8xf32>
    tpu.vector_store %arg7[%swap3A, %swap3A_66], %select_n3A_65 {strides = array<i32>} : memref<2000x8xf32, #tpu.memory_space<vmem>>, vector<2000x8xf32>,
    %iota3A_68 = tpu.iota {dimensions = array<i32: 1>} : vector<2000x2xi32>
    %eq3A_69 = arith.constant 0 : i32
    %eq3A_70 = vector.broadcast %eq3A_69 : i32 to vector<2000x2xi32>
    %eq3A_71 = arith.cmpi eq, %iota3A_68, %eq3A_70 : vector<2000x2xi32>
    %broadcast_in_dim3A_72 = vector.shape_cast %sub3A_44 : vector<2000x1xf32> to vector<2000x1xf32>
    %broadcast_in_dim3A_73 = vector.broadcast %broadcast_in_dim3A_72 : vector<2000x1xf32> to vector<2000x2xf32>
    %broadcast_in_dim3A_74 = vector.shape_cast %add3A_47 : vector<2000x1xf32> to vector<2000x1xf32>
    %broadcast_in_dim3A_75 = vector.broadcast %broadcast_in_dim3A_74 : vector<2000x1xf32> to vector<2000x2xf32>
    %select_n3A_76 = arith.select %eq3A_71, %broadcast_in_dim3A_73, %broadcast_in_dim3A_75 : vector<2000x2xi1>, vector<2000x2xf32>
    %swap3A_77 = arith.constant 0 : index
    %swap3A_78 = arith.constant 0 : index
    %swap3A_79 = vector.load %arg8[%swap3A_77, %swap3A_78] : memref<2000x2xf32, #tpu.memory_space<vmem>>, vector<2000x2xf32>
    tpu.vector_store %arg8[%swap3A_77, %swap3A_78], %select_n3A_76 {strides = array<i32>} : memref<2000x2xf32, #tpu.memory_space<vmem>>, vector<2000x2xf32>,
    %swap3A_80 = arith.constant 0 : index
    %swap3A_81 = arith.constant 0 : index
    %swap3A_82 = vector.load %arg9[%swap3A_80, %swap3A_81] : memref<2000x1xf32, #tpu.memory_space<vmem>>, vector<2000x1xf32>
    tpu.vector_store %arg9[%swap3A_80, %swap3A_81], %sub3A {strides = array<i32>} : memref<2000x1xf32, #tpu.memory_space<vmem>>, vector<2000x1xf32>,
    return
  }
  func.func @transform_0(%arg0: i32) -> (i32, i32) {
    %c0_i32 = arith.constant 0 : i32
    %c0_i32_0 = arith.constant 0 : i32
    return %arg0, %c0_i32 : i32, i32
  }
  func.func @transform_1(%arg0: i32) -> (i32, i32) {
    %c0_i32 = arith.constant 0 : i32
    %c0_i32_0 = arith.constant 0 : i32
    return %arg0, %c0_i32 : i32, i32
  }
  func.func @transform_2(%arg0: i32) -> (i32, i32) {
    %c0_i32 = arith.constant 0 : i32
    %c0_i32_0 = arith.constant 0 : i32
    return %arg0, %c0_i32 : i32, i32
  }
  func.func @transform_3(%arg0: i32) -> (i32, i32) {
    %c0_i32 = arith.constant 0 : i32
    %c0_i32_0 = arith.constant 0 : i32
    return %arg0, %c0_i32 : i32, i32
  }
  func.func @transform_4(%arg0: i32) -> (i32, i32) {
    %c0_i32 = arith.constant 0 : i32
    %c0_i32_0 = arith.constant 0 : i32
    return %arg0, %c0_i32 : i32, i32
  }
  func.func @transform_5(%arg0: i32) -> (i32, i32) {
    %c0_i32 = arith.constant 0 : i32
    %c0_i32_0 = arith.constant 0 : i32
    return %arg0, %c0_i32 : i32, i32
  }
  func.func @transform_6(%arg0: i32) -> (i32, i32) {
    %c0_i32 = arith.constant 0 : i32
    %c0_i32_0 = arith.constant 0 : i32
    return %arg0, %c0_i32 : i32, i32
  }
  func.func @transform_7(%arg0: i32) -> (i32, i32) {
    %c0_i32 = arith.constant 0 : i32
    %c0_i32_0 = arith.constant 0 : i32
    return %arg0, %c0_i32 : i32, i32
  }
  func.func @transform_8(%arg0: i32) -> (i32, i32) {
    %c0_i32 = arith.constant 0 : i32
    %c0_i32_0 = arith.constant 0 : i32
    return %arg0, %c0_i32 : i32, i32
  }
}

module attributes {stable_mosaic.version = 14 : i64} {
  func.func @_final_body(%arg0: i32, %arg1: memref<2000x8xf32, #tpu.memory_space<vmem>>, %arg2: memref<2000x8xf32, #tpu.memory_space<vmem>>, %arg3: memref<2000x2xf32, #tpu.memory_space<vmem>>, %arg4: memref<2000x1xf32, #tpu.memory_space<vmem>>, %arg5: memref<2000x1xf32, #tpu.memory_space<vmem>>, %arg6: memref<2000x1xf32, #tpu.memory_space<vmem>>, %arg7: memref<2000x128xf32, #tpu.memory_space<vmem>>, %arg8: memref<128x128xf32, #tpu.memory_space<vmem>>, %arg9: memref<1x128xf32, #tpu.memory_space<vmem>>, %arg10: memref<1x128xf32, #tpu.memory_space<vmem>>, %arg11: memref<1x128xf32, #tpu.memory_space<vmem>>, %arg12: memref<128x40xf32, #tpu.memory_space<vmem>>, %arg13: memref<1x40xf32, #tpu.memory_space<vmem>>, %arg14: memref<2000x40xf32, #tpu.memory_space<vmem>>) attributes {dimension_semantics = [#tpu.dimension_semantics<arbitrary>], iteration_bounds = array<i64: 5>, scalar_prefetch = 0 : i64, scratch_operands = 0 : i64, tpu.core_type = #tpu.core_type<tc>, window_params = [{transform_indices = @transform_0, window_bounds = array<i64: 2000, 8>}, {transform_indices = @transform_1, window_bounds = array<i64: 2000, 8>}, {transform_indices = @transform_2, window_bounds = array<i64: 2000, 2>}, {transform_indices = @transform_3, window_bounds = array<i64: 2000, 1>}, {transform_indices = @transform_4, window_bounds = array<i64: 2000, 1>}, {transform_indices = @transform_5, window_bounds = array<i64: 2000, 1>}, {transform_indices = @transform_6, window_bounds = array<i64: 2000, 128>}, {pipeline_mode = #tpu.pipeline_mode<synchronous>, transform_indices = @transform_7, window_bounds = array<i64: 128, 128>}, {pipeline_mode = #tpu.pipeline_mode<synchronous>, transform_indices = @transform_8, window_bounds = array<i64: 1, 128>}, {pipeline_mode = #tpu.pipeline_mode<synchronous>, transform_indices = @transform_9, window_bounds = array<i64: 1, 128>}, {pipeline_mode = #tpu.pipeline_mode<synchronous>, transform_indices = @transform_10, window_bounds = array<i64: 1, 128>}, {pipeline_mode = #tpu.pipeline_mode<synchronous>, transform_indices = @transform_11, window_bounds = array<i64: 128, 40>}, {pipeline_mode = #tpu.pipeline_mode<synchronous>, transform_indices = @transform_12, window_bounds = array<i64: 1, 40>}, {transform_indices = @transform_13, window_bounds = array<i64: 2000, 40>}]} {
    %get3A = arith.constant 0 : index
    %get3A_0 = arith.constant 0 : index
    %get3A_1 = vector.load %arg1[%get3A, %get3A_0] : memref<2000x8xf32, #tpu.memory_space<vmem>>, vector<2000x8xf32>
    %get3A_2 = arith.constant 0 : index
    %get3A_3 = arith.constant 0 : index
    %get3A_4 = vector.load %arg2[%get3A_2, %get3A_3] : memref<2000x8xf32, #tpu.memory_space<vmem>>, vector<2000x8xf32>
    %add3A = arith.addf %get3A_1, %get3A_4 : vector<2000x8xf32>
    %get3A_5 = arith.constant 0 : index
    %get3A_6 = arith.constant 0 : index
    %get3A_7 = vector.load %arg3[%get3A_5, %get3A_6] : memref<2000x2xf32, #tpu.memory_space<vmem>>, vector<2000x2xf32>
    %get3A_8 = arith.constant 0 : index
    %get3A_9 = arith.constant 0 : index
    %get3A_10 = vector.load %arg5[%get3A_8, %get3A_9] : memref<2000x1xf32, #tpu.memory_space<vmem>>, vector<2000x1xf32>
    %get3A_11 = arith.constant 0 : index
    %get3A_12 = arith.constant 0 : index
    %get3A_13 = vector.load %arg6[%get3A_11, %get3A_12] : memref<2000x1xf32, #tpu.memory_space<vmem>>, vector<2000x1xf32>
    %iota3A = tpu.iota {dimensions = array<i32: 1>} : vector<2000x2xi32>
    %eq3A = arith.constant 0 : i32
    %eq3A_14 = vector.broadcast %eq3A : i32 to vector<2000x2xi32>
    %eq3A_15 = arith.cmpi eq, %iota3A, %eq3A_14 : vector<2000x2xi32>
    %jit3A = arith.constant 0.000000e+00 : f32
    %broadcast_in_dim3A = vector.broadcast %jit3A : f32 to vector<2000x2xf32>
    %select_n3A = arith.select %eq3A_15, %get3A_7, %broadcast_in_dim3A : vector<2000x2xi1>, vector<2000x2xf32>
    %reduce_sum3A = arith.constant dense<0.000000e+00> : vector<2000xf32>
    %reduce_sum3A_16 = vector.multi_reduction <add>, %select_n3A, %reduce_sum3A [1] : vector<2000x2xf32> to vector<2000xf32>
    %broadcast_in_dim3A_17 = vector.shape_cast %reduce_sum3A_16 : vector<2000xf32> to vector<2000x1xf32>
    %eq3A_18 = arith.constant 1 : i32
    %eq3A_19 = vector.broadcast %eq3A_18 : i32 to vector<2000x2xi32>
    %eq3A_20 = arith.cmpi eq, %iota3A, %eq3A_19 : vector<2000x2xi32>
    %jit3A_21 = arith.constant 0.000000e+00 : f32
    %broadcast_in_dim3A_22 = vector.broadcast %jit3A_21 : f32 to vector<2000x2xf32>
    %select_n3A_23 = arith.select %eq3A_20, %get3A_7, %broadcast_in_dim3A_22 : vector<2000x2xi1>, vector<2000x2xf32>
    %reduce_sum3A_24 = arith.constant dense<0.000000e+00> : vector<2000xf32>
    %reduce_sum3A_25 = vector.multi_reduction <add>, %select_n3A_23, %reduce_sum3A_24 [1] : vector<2000x2xf32> to vector<2000xf32>
    %broadcast_in_dim3A_26 = vector.shape_cast %reduce_sum3A_25 : vector<2000xf32> to vector<2000x1xf32>
    %iota3A_27 = tpu.iota {dimensions = array<i32: 1>} : vector<2000x8xi32>
    %eq3A_28 = arith.constant 0 : i32
    %eq3A_29 = vector.broadcast %eq3A_28 : i32 to vector<2000x8xi32>
    %eq3A_30 = arith.cmpi eq, %iota3A_27, %eq3A_29 : vector<2000x8xi32>
    %jit3A_31 = arith.constant 0.000000e+00 : f32
    %broadcast_in_dim3A_32 = vector.broadcast %jit3A_31 : f32 to vector<2000x8xf32>
    %select_n3A_33 = arith.select %eq3A_30, %add3A, %broadcast_in_dim3A_32 : vector<2000x8xi1>, vector<2000x8xf32>
    %reduce_sum3A_34 = arith.constant dense<0.000000e+00> : vector<2000xf32>
    %reduce_sum3A_35 = vector.multi_reduction <add>, %select_n3A_33, %reduce_sum3A_34 [1] : vector<2000x8xf32> to vector<2000xf32>
    %broadcast_in_dim3A_36 = vector.shape_cast %reduce_sum3A_35 : vector<2000xf32> to vector<2000x1xf32>
    %eq3A_37 = arith.constant 1 : i32
    %eq3A_38 = vector.broadcast %eq3A_37 : i32 to vector<2000x8xi32>
    %eq3A_39 = arith.cmpi eq, %iota3A_27, %eq3A_38 : vector<2000x8xi32>
    %jit3A_40 = arith.constant 0.000000e+00 : f32
    %broadcast_in_dim3A_41 = vector.broadcast %jit3A_40 : f32 to vector<2000x8xf32>
    %select_n3A_42 = arith.select %eq3A_39, %add3A, %broadcast_in_dim3A_41 : vector<2000x8xi1>, vector<2000x8xf32>
    %reduce_sum3A_43 = arith.constant dense<0.000000e+00> : vector<2000xf32>
    %reduce_sum3A_44 = vector.multi_reduction <add>, %select_n3A_42, %reduce_sum3A_43 [1] : vector<2000x8xf32> to vector<2000xf32>
    %broadcast_in_dim3A_45 = vector.shape_cast %reduce_sum3A_44 : vector<2000xf32> to vector<2000x1xf32>
    %mul3A = arith.mulf %broadcast_in_dim3A_17, %broadcast_in_dim3A_36 : vector<2000x1xf32>
    %mul3A_46 = arith.mulf %broadcast_in_dim3A_26, %broadcast_in_dim3A_45 : vector<2000x1xf32>
    %add3A_47 = arith.addf %mul3A, %mul3A_46 : vector<2000x1xf32>
    %mul3A_48 = arith.mulf %get3A_13, %add3A_47 : vector<2000x1xf32>
    %get3A_49 = arith.constant 0 : index
    %get3A_50 = arith.constant 0 : index
    %get3A_51 = vector.load %arg4[%get3A_49, %get3A_50] : memref<2000x1xf32, #tpu.memory_space<vmem>>, vector<2000x1xf32>
    %add3A_52 = arith.addf %get3A_51, %mul3A_48 : vector<2000x1xf32>
    %mul3A_53 = arith.mulf %get3A_10, %add3A_52 : vector<2000x1xf32>
    %cos3A = math.cos %mul3A_53 : vector<2000x1xf32>
    %sin3A = math.sin %mul3A_53 : vector<2000x1xf32>
    %mul3A_54 = arith.mulf %broadcast_in_dim3A_17, %cos3A : vector<2000x1xf32>
    %mul3A_55 = arith.mulf %broadcast_in_dim3A_26, %sin3A : vector<2000x1xf32>
    %sub3A = arith.subf %mul3A_54, %mul3A_55 : vector<2000x1xf32>
    %mul3A_56 = arith.mulf %broadcast_in_dim3A_17, %sin3A : vector<2000x1xf32>
    %mul3A_57 = arith.mulf %broadcast_in_dim3A_26, %cos3A : vector<2000x1xf32>
    %add3A_58 = arith.addf %mul3A_56, %mul3A_57 : vector<2000x1xf32>
    %get3A_59 = arith.constant 0 : index
    %get3A_60 = arith.constant 0 : index
    %get3A_61 = vector.load %arg7[%get3A_59, %get3A_60] : memref<2000x128xf32, #tpu.memory_space<vmem>>, vector<2000x128xf32>
    %iota3A_62 = tpu.iota {dimensions = array<i32: 1>} : vector<2000x128xi32>
    %eq3A_63 = arith.constant 0 : i32
    %eq3A_64 = vector.broadcast %eq3A_63 : i32 to vector<2000x128xi32>
    %eq3A_65 = arith.cmpi eq, %iota3A_62, %eq3A_64 : vector<2000x128xi32>
    %eq3A_66 = arith.constant 1 : i32
    %eq3A_67 = vector.broadcast %eq3A_66 : i32 to vector<2000x128xi32>
    %eq3A_68 = arith.cmpi eq, %iota3A_62, %eq3A_67 : vector<2000x128xi32>
    %broadcast_in_dim3A_69 = vector.shape_cast %add3A_58 : vector<2000x1xf32> to vector<2000x1xf32>
    %broadcast_in_dim3A_70 = vector.broadcast %broadcast_in_dim3A_69 : vector<2000x1xf32> to vector<2000x128xf32>
    %select_n3A_71 = arith.select %eq3A_68, %broadcast_in_dim3A_70, %get3A_61 : vector<2000x128xi1>, vector<2000x128xf32>
    %broadcast_in_dim3A_72 = vector.shape_cast %sub3A : vector<2000x1xf32> to vector<2000x1xf32>
    %broadcast_in_dim3A_73 = vector.broadcast %broadcast_in_dim3A_72 : vector<2000x1xf32> to vector<2000x128xf32>
    %select_n3A_74 = arith.select %eq3A_65, %broadcast_in_dim3A_73, %select_n3A_71 : vector<2000x128xi1>, vector<2000x128xf32>
    %get3A_75 = arith.constant 0 : index
    %get3A_76 = arith.constant 0 : index
    %get3A_77 = vector.load %arg8[%get3A_75, %get3A_76] : memref<128x128xf32, #tpu.memory_space<vmem>>, vector<128x128xf32>
    %dot_general3A = arith.constant dense<0.000000e+00> : vector<2000x128xf32>
    %dot_general3A_78 = tpu.matmul %select_n3A_74, %get3A_77, %dot_general3A {dimension_numbers = #tpu.dot_dimension_numbers<[1], [0], [0], [1], [0, 0, 1, 1], [], []>, transpose_lhs_hint = false} : vector<2000x128xf32>, vector<128x128xf32>, vector<2000x128xf32> -> vector<2000x128xf32>
    %get3A_79 = arith.constant 0 : index
    %get3A_80 = arith.constant 0 : index
    %get3A_81 = vector.load %arg9[%get3A_79, %get3A_80] : memref<1x128xf32, #tpu.memory_space<vmem>>, vector<1x128xf32>
    %add3A_82 = vector.broadcast %get3A_81 : vector<1x128xf32> to vector<2000x128xf32>
    %add3A_83 = arith.addf %dot_general3A_78, %add3A_82 : vector<2000x128xf32>
    %max3A = arith.constant 0.000000e+00 : f32
    %max3A_84 = vector.broadcast %max3A : f32 to vector<2000x128xf32>
    %max3A_85 = arith.maximumf %add3A_83, %max3A_84 : vector<2000x128xf32>
    %get3A_86 = arith.constant 0 : index
    %get3A_87 = arith.constant 0 : index
    %get3A_88 = vector.load %arg10[%get3A_86, %get3A_87] : memref<1x128xf32, #tpu.memory_space<vmem>>, vector<1x128xf32>
    %sqrt3A = arith.constant 1.000010e+00 : f32
    %sqrt3A_89 = math.sqrt %sqrt3A : f32
    %div3A = arith.constant 1.000000e+00 : f32
    %div3A_90 = arith.divf %div3A, %sqrt3A_89 : f32
    %mul3A_91 = vector.broadcast %div3A_90 : f32 to vector<1x128xf32>
    %mul3A_92 = arith.mulf %get3A_88, %mul3A_91 : vector<1x128xf32>
    %mul3A_93 = vector.broadcast %mul3A_92 : vector<1x128xf32> to vector<2000x128xf32>
    %mul3A_94 = arith.mulf %max3A_85, %mul3A_93 : vector<2000x128xf32>
    %get3A_95 = arith.constant 0 : index
    %get3A_96 = arith.constant 0 : index
    %get3A_97 = vector.load %arg11[%get3A_95, %get3A_96] : memref<1x128xf32, #tpu.memory_space<vmem>>, vector<1x128xf32>
    %add3A_98 = vector.broadcast %get3A_97 : vector<1x128xf32> to vector<2000x128xf32>
    %add3A_99 = arith.addf %mul3A_94, %add3A_98 : vector<2000x128xf32>
    %get3A_100 = arith.constant 0 : index
    %get3A_101 = arith.constant 0 : index
    %get3A_102 = vector.load %arg12[%get3A_100, %get3A_101] : memref<128x40xf32, #tpu.memory_space<vmem>>, vector<128x40xf32>
    %dot_general3A_103 = arith.constant dense<0.000000e+00> : vector<2000x40xf32>
    %dot_general3A_104 = tpu.matmul %add3A_99, %get3A_102, %dot_general3A_103 {dimension_numbers = #tpu.dot_dimension_numbers<[1], [0], [0], [1], [0, 0, 1, 1], [], []>, transpose_lhs_hint = false} : vector<2000x128xf32>, vector<128x40xf32>, vector<2000x40xf32> -> vector<2000x40xf32>
    %get3A_105 = arith.constant 0 : index
    %get3A_106 = arith.constant 0 : index
    %get3A_107 = vector.load %arg13[%get3A_105, %get3A_106] : memref<1x40xf32, #tpu.memory_space<vmem>>, vector<1x40xf32>
    %add3A_108 = vector.broadcast %get3A_107 : vector<1x40xf32> to vector<2000x40xf32>
    %add3A_109 = arith.addf %dot_general3A_104, %add3A_108 : vector<2000x40xf32>
    %reduce_max3A = arith.constant dense<0xFF800000> : vector<2000xf32>
    %reduce_max3A_110 = vector.multi_reduction <maximumf>, %add3A_109, %reduce_max3A [1] : vector<2000x40xf32> to vector<2000xf32>
    %broadcast_in_dim3A_111 = vector.shape_cast %reduce_max3A_110 : vector<2000xf32> to vector<2000x1xf32>
    %sub3A_112 = vector.broadcast %broadcast_in_dim3A_111 : vector<2000x1xf32> to vector<2000x40xf32>
    %sub3A_113 = arith.subf %add3A_109, %sub3A_112 : vector<2000x40xf32>
    %exp3A = math.exp %sub3A_113 : vector<2000x40xf32>
    %reduce_sum3A_114 = arith.constant dense<0.000000e+00> : vector<2000xf32>
    %reduce_sum3A_115 = vector.multi_reduction <add>, %exp3A, %reduce_sum3A_114 [1] : vector<2000x40xf32> to vector<2000xf32>
    %broadcast_in_dim3A_116 = vector.shape_cast %reduce_sum3A_115 : vector<2000xf32> to vector<2000x1xf32>
    %log3A = math.log %broadcast_in_dim3A_116 : vector<2000x1xf32>
    %sub3A_117 = vector.broadcast %log3A : vector<2000x1xf32> to vector<2000x40xf32>
    %sub3A_118 = arith.subf %sub3A_113, %sub3A_117 : vector<2000x40xf32>
    %swap3A = arith.constant 0 : index
    %swap3A_119 = arith.constant 0 : index
    %swap3A_120 = vector.load %arg14[%swap3A, %swap3A_119] : memref<2000x40xf32, #tpu.memory_space<vmem>>, vector<2000x40xf32>
    tpu.vector_store %arg14[%swap3A, %swap3A_119], %sub3A_118 {strides = array<i32>} : memref<2000x40xf32, #tpu.memory_space<vmem>>, vector<2000x40xf32>,
    return
  }
  func.func @transform_0(%arg0: i32) -> (i32, i32) {
    %c0_i32 = arith.constant 0 : i32
    %c0_i32_0 = arith.constant 0 : i32
    return %arg0, %c0_i32 : i32, i32
  }
  func.func @transform_1(%arg0: i32) -> (i32, i32) {
    %c0_i32 = arith.constant 0 : i32
    %c0_i32_0 = arith.constant 0 : i32
    return %arg0, %c0_i32 : i32, i32
  }
  func.func @transform_2(%arg0: i32) -> (i32, i32) {
    %c0_i32 = arith.constant 0 : i32
    %c0_i32_0 = arith.constant 0 : i32
    return %arg0, %c0_i32 : i32, i32
  }
  func.func @transform_3(%arg0: i32) -> (i32, i32) {
    %c0_i32 = arith.constant 0 : i32
    %c0_i32_0 = arith.constant 0 : i32
    return %arg0, %c0_i32 : i32, i32
  }
  func.func @transform_4(%arg0: i32) -> (i32, i32) {
    %c0_i32 = arith.constant 0 : i32
    %c0_i32_0 = arith.constant 0 : i32
    return %arg0, %c0_i32 : i32, i32
  }
  func.func @transform_5(%arg0: i32) -> (i32, i32) {
    %c0_i32 = arith.constant 0 : i32
    %c0_i32_0 = arith.constant 0 : i32
    return %arg0, %c0_i32 : i32, i32
  }
  func.func @transform_6(%arg0: i32) -> (i32, i32) {
    %c0_i32 = arith.constant 0 : i32
    %c0_i32_0 = arith.constant 0 : i32
    return %arg0, %c0_i32 : i32, i32
  }
  func.func @transform_7(%arg0: i32) -> (i32, i32) {
    %c0_i32 = arith.constant 0 : i32
    %c0_i32_0 = arith.constant 0 : i32
    %c0_i32_1 = arith.constant 0 : i32
    return %c0_i32, %c0_i32_0 : i32, i32
  }
  func.func @transform_8(%arg0: i32) -> (i32, i32) {
    %c0_i32 = arith.constant 0 : i32
    %c0_i32_0 = arith.constant 0 : i32
    %c0_i32_1 = arith.constant 0 : i32
    return %c0_i32, %c0_i32_0 : i32, i32
  }
  func.func @transform_9(%arg0: i32) -> (i32, i32) {
    %c0_i32 = arith.constant 0 : i32
    %c0_i32_0 = arith.constant 0 : i32
    %c0_i32_1 = arith.constant 0 : i32
    return %c0_i32, %c0_i32_0 : i32, i32
  }
  func.func @transform_10(%arg0: i32) -> (i32, i32) {
    %c0_i32 = arith.constant 0 : i32
    %c0_i32_0 = arith.constant 0 : i32
    %c0_i32_1 = arith.constant 0 : i32
    return %c0_i32, %c0_i32_0 : i32, i32
  }
  func.func @transform_11(%arg0: i32) -> (i32, i32) {
    %c0_i32 = arith.constant 0 : i32
    %c0_i32_0 = arith.constant 0 : i32
    %c0_i32_1 = arith.constant 0 : i32
    return %c0_i32, %c0_i32_0 : i32, i32
  }
  func.func @transform_12(%arg0: i32) -> (i32, i32) {
    %c0_i32 = arith.constant 0 : i32
    %c0_i32_0 = arith.constant 0 : i32
    %c0_i32_1 = arith.constant 0 : i32
    return %c0_i32, %c0_i32_0 : i32, i32
  }
  func.func @transform_13(%arg0: i32) -> (i32, i32) {
    %c0_i32 = arith.constant 0 : i32
    %c0_i32_0 = arith.constant 0 : i32
    return %arg0, %c0_i32 : i32, i32
  }
}

</mosaic_0001>

<sc_bundles>
// kernel: kernel.12.cloned.1.call-start
scs
__scs_entry_jumppad:
0x0: {  	(pc) =	sbr.rel $0x88, $3  }
0x1: {  	(tag) =	ssettag $0x0;
	lr =	simm.s32 $0x1  }
0x2: {  	[smem:$0x3F95] =	sst lr;
	_ =	strace $0xD0000000  }
0x3: {  	_ = 	snop  }
0x4: {  	_ = 	snop  }
0x5: {  	_ = 	snop  }
0x6: {  	_ = 	snop  }
0x7: {  	_ = 	snop  }
__scs_overlays_trampoline_lowered:
0x8: {  	[smem:$0x3FA4] =	sst s0  }
0x9: {  	[smem:$0x3FA5] =	sst s1  }
0xa: {  	[smem:$0x3FA6] =	sst s2  }
0xb: {  	[smem:$0x3FA7] =	sst s3  }
0xc: {  	[smem:$0x3FA8] =	sst s4  }
0xd: {  	[smem:$0x3FA9] =	sst s5  }
0xe: {  	[smem:$0x3FAA] =	sst s6  }
0xf: {  	[smem:$0x3FAB] =	sst s7  }
0x10: {  	[smem:$0x3FAC] =	sst s8  }
0x11: {  	[smem:$0x3FAD] =	sst s9;
	s0 =	simm.s32 @!p0 $0x0  }
0x12: {  	s1 =	sld [smem:$0x3F93];
	s0 =	simm.s32 @p0 $0x1  }
0x13: {  	[smem:$0x3FAE] =	sst s0;
	s0 =	simm.s32 @!p1 $0x0  }
0x14: {  	s2 =	sld [smem:$0x3F92];
	s0 =	simm.s32 @p1 $0x1  }
0x15: {  	[smem:$0x3FAF] =	sst s0;
	s0 =	simm.s32 @!p2 $0x0  }
0x16: {  	s3 =	sld [smem:$0x3FDB];
	s0 =	simm.s32 @p2 $0x1  }
0x17: {  	s4 =	simm.s32 $0x1BF5;
	[smem:$0x3FB1] =	sst s0  }
0x18: {  	s0 =	sld [smem:$0x3F94];
	_ =	swait.ge [sflag:s4], $0x0  }
0x19: {  	s7 =	sld [smem:$0x3F95]  }
0x1a: {  	s8 =	sadd.s32 $0xFFFFE003, lr  }
0x1b: {  	s9 =	sadd.s32 $0xFFFFFEF7, lr;
	s5 =	simm.s32 $0xFFFFFFFF;
	p2 =	slt.u32 s8, $0xFFFFF086  }
0x1c: {  	p1 =	slt.u32 s9, $0xF7A;
	s5 =	simm.s32 @!p2 $0x0  }
0x1d: {  	s5 =	simm.s32 @p1 $0x1;
	p0 =	seq.s32 s7, s2  }
0x1e: {  	s7 =	smul.u32 @!p0 $0xF7A, s2;
	p2 =	seq.s32 @!p0 s5, $0x0  }
0x1f: {  	s9 =	smul.u32 $0xF7A, s1;
	s8 =	simm.s32 @!p0 $0x1BF5;
	p2 =	por !p2, p0  }
0x20: {  	[sflag:s8] =	ssyncset.s32 @!p0 $0xFFFFF086;
	s6 =	sadd.s32 @!p0 s3, s7;
	s7 =	simm.s32 @!p0 $0x108  }
0x21: {  	s3 =	sadd.s32 s3, s9;
	s6 =	sadd.s32 @!p0 $0x88, s6;
	s7 =	simm.s32 @p2 $0x1082  }
0x22: {  	[simem:s7], [sflag:s8] =	dma.local @!p0 [hbm:s6], $0xF7A  }
0x23: {  	s9 =	sor.u32 $0xD0000000, s2;
	s6 =	simm.s32 $0x108;
	_ =	swait.ge @!p0 [sflag:s8], $0x0  }
0x24: {  	s3 =	sadd.s32 $0x88, s3;
	s6 =	simm.s32 @!p1 $0x1082;
	[sflag:s4] =	ssyncset.s32 $0xFFFFF086  }
0x25: {  	[simem:s6], [sflag:s4] =	dma.local [hbm:s3], $0xF7A  }
0x26: {  	[smem:$0x3F95] =	sst s1;
	(tag) =	ssettag s2;
	_ =	strace s9  }
0x27: {  	s1 =	sld [smem:$0x3FA5]  }
0x28: {  	s2 =	sld [smem:$0x3FA6]  }
0x29: {  	s4 =	sld [smem:$0x3FA8]  }
0x2a: {  	p0 =	seq.s32 s5, $0x0;
	s5 =	sld [smem:$0x3FA9]  }
0x2b: {  	s6 =	sld [smem:$0x3FAA]  }
0x2c: {  	s7 =	sld [smem:$0x3FAB]  }
0x2d: {  	s3 =	simm.s32 $0x108;
	s8 =	sld [smem:$0x3FAC]  }
0x2e: {  	s3 =	simm.s32 @!p0 $0x1082;
	s9 =	sld [smem:$0x3FAD]  }
0x2f: {  	lr =	sadd.s32 s0, s3;
	s0 =	sld [smem:$0x3FA4]  }
0x30: {  	s3 =	sld [smem:$0x3FA7]  }
0x31: {  	[smem:$0x3FB0] =	sst s10  }
0x32: {  	s10 =	sld [smem:$0x3FAE];
	_ =	sdelay $0x3  }
0x33: {  	p0 =	seq.s32 s10, $0x1;
	s10 =	sld [smem:$0x3FB0];
	_ =	sdelay $0x3  }
0x34: {  	[smem:$0x3FB0] =	sst s10  }
0x35: {  	s10 =	sld [smem:$0x3FAF];
	_ =	sdelay $0x3  }
0x36: {  	p1 =	seq.s32 s10, $0x1;
	s10 =	sld [smem:$0x3FB0];
	_ =	sdelay $0x3  }
0x37: {  	[smem:$0x3FB0] =	sst s10  }
0x38: {  	s10 =	sld [smem:$0x3FB1]  }
0x39: {  	_ = 	snop;
	(pc) =	sbr.ind lr, $3  }
0x3a: {  	_ = 	snop  }
0x3b: {  	_ = 	snop  }
0x3c: {  	p2 =	seq.s32 s10, $0x1;
	s10 =	sld [smem:$0x3FB0]  }
0x3d: {  	_ =	shalt  }
0x3e: {  	_ =	shalt  }
0x3f: {  	_ =	shalt  }
0x40: {  	_ =	shalt  }
0x41: {  	_ =	shalt  }
0x42: {  	_ =	shalt  }
0x43: {  	_ =	shalt  }
0x44: {  	_ =	shalt  }
0x45: {  	_ =	shalt  }
0x46: {  	_ =	shalt  }
0x47: {  	_ =	shalt  }
0x48: {  	_ =	shalt  }
0x49: {  	_ =	shalt  }
0x4a: {  	_ =	shalt  }
0x4b: {  	_ =	shalt  }
0x4c: {  	_ =	shalt  }
0x4d: {  	_ =	shalt  }
0x4e: {  	_ =	shalt  }
0x4f: {  	_ =	shalt  }
0x50: {  	_ =	shalt  }
0x51: {  	_ =	shalt  }
0x52: {  	_ =	shalt  }
0x53: {  	_ =	shalt  }
0x54: {  	_ =	shalt  }
0x55: {  	_ =	shalt  }
0x56: {  	_ =	shalt  }
0x57: {  	_ =	shalt  }
0x58: {  	_ =	shalt  }
0x59: {  	_ =	shalt  }
0x5a: {  	_ =	shalt  }
0x5b: {  	_ =	shalt  }
0x5c: {  	_ =	shalt  }
0x5d: {  	_ =	shalt  }
0x5e: {  	_ =	shalt  }
0x5f: {  	_ =	shalt  }
0x60: {  	_ =	shalt  }
0x61: {  	_ =	shalt  }
0x62: {  	_ =	shalt  }
0x63: {  	_ =	shalt  }
0x64: {  	_ =	shalt  }
0x65: {  	_ =	shalt  }
0x66: {  	_ =	shalt  }
0x67: {  	_ =	shalt  }
0x68: {  	_ =	shalt  }
0x69: {  	_ =	shalt  }
0x6a: {  	_ =	shalt  }
0x6b: {  	_ =	shalt  }
0x6c: {  	_ =	shalt  }
0x6d: {  	_ =	shalt  }
0x6e: {  	_ =	shalt  }
0x6f: {  	_ =	shalt  }
0x70: {  	_ =	shalt  }
0x71: {  	_ =	shalt  }
0x72: {  	_ =	shalt  }
0x73: {  	_ =	shalt  }
0x74: {  	_ =	shalt  }
0x75: {  	_ =	shalt  }
0x76: {  	_ =	shalt  }
0x77: {  	_ =	shalt  }
0x78: {  	_ =	shalt  }
0x79: {  	_ =	shalt  }
0x7a: {  	_ =	shalt  }
0x7b: {  	_ =	shalt  }
0x7c: {  	_ =	shalt  }
0x7d: {  	_ =	shalt  }
0x7e: {  	_ =	shalt  }
0x7f: {  	_ =	shalt  }
0x80: {  	_ =	shalt  }
0x81: {  	_ =	shalt  }
0x82: {  	_ =	shalt  }
0x83: {  	_ =	shalt  }
0x84: {  	_ =	shalt  }
0x85: {  	_ =	shalt  }
0x86: {  	_ =	shalt  }
0x87: {  	_ =	shalt  }
.Lfunc_end0:
.L_simem_size_0:
called_computation.1_lowered:
.L_overlay_start_0:
0x88: {  	s2 =	sld [smem:$0x3FD9]  }
0x89: {  	s3 =	sld [smem:$0x3FFE];
	_ =	sdelay $0x1  }
0x8a: {  	s1 =	srdreg.scid  }
0x8b: {  	s0 =	sand.u32 $0x1, s1  }
0x8c: {  	s16 =	sshll.u32 s0, $0xA;
	s2 =	sadd.s32 s3, s2  }
0x8d: {  	s2 =	sadd.s32 s2, s16  }
0x8e: {  	[smem:$0x3FBC] =	sst s2  }
0x8f: {  	_ = 	snop  }
0x90: {  	(tm) =	ssettm $0x1  }
0x91: {  	s17 =	sld [smem:$0x3FFB];
	_ =	sdelay $0x3  }
0x92: {  	_ =	strace s17  }
0x93: {  	s2 =	sld [smem:$0x3FFC];
	_ =	sdelay $0x3  }
0x94: {  	_ =	strace s2  }
0x95: {  	s2 =	sld [smem:$0x3FFD];
	_ =	sdelay $0x3  }
0x96: {  	_ =	strace s2  }
0x97: {  	_ =	strace $0x8FFFFFFF  }
0x98: {  	s18 =	sld [smem:$0x3FDB];
	_ =	sdelay $0x1  }
0x99: {  	s19 =	simm.s32 $_scs_section_size  }
0x9a: {  	s4 =	simm.s32 $_size__tile_overlayer_lowered;
	s5 =	simm.s32 $_tile_overlayer_lowered  }
0x9b: {  	s22 =	simm.s32 $0x1BFF;
	s21 =	sshll.u32 s5, $0x1;
	s2 =	sadd.s32 s19, s18  }
0x9c: {  	s6 =	simm.s32 $0x0;
	s20 =	sshll.u32 s4, $0x1;
	s4 =	sadd.s32 s21, s2  }
0x9d: {  	[timem:s6], [sflag:s22] =	dma.local [hbm:s4], s20  }
0x9e: {  	_ =	swait.ge [sflag:s22], s20  }
0x9f: {  	s3 =	ssub.s32 $0x0, s20;
	[sflag:s22] =	ssyncset.done $0x0  }
0xa0: {  	[sflag:s22] =	ssyncadd.s32 s3;
	_ =	sdelay $0x1  }
0xa1: {  	s23 =	simm.s32 $0x1B8B  }
0xa2: {  	_ =	swait.ge [sflag:s23], $0x1  }
0xa3: {  	[sflag:s23] =	ssyncset.done $0x0  }
0xa4: {  	s25 =	simm.s32 $0x1B8E;
	s24 =	sld [smem:$0x3FFE];
	[sflag:s23] =	ssyncadd.s32 $0xFFFFFFFF  }
0xa5: {  	s26 =	simm.s32 $execute0_lowered;
	[smem:$0x3FD2] =	sst s25  }
0xa6: {  	s4 =	sshll.u32 s26, $0x1;
	_ =	strace $0x80000049;
	[dreg:$0x1] =	wrdreg $0xFFFFFFFF  }
0xa7: {  	s28 =	simm.s32 $_size_execute0_lowered;
	s2 =	sadd.s32 s2, s4;
	[dreg:$0x0] =	wrdreg $0x0  }
0xa8: {  	s4 =	sshll.u32 s28, $0x1;
	[dreg:$0x2] =	wrdreg s2  }
0xa9: {  	[dreg:$0x3] =	wrdreg s4  }
0xaa: {  	[dreg:$0x4] =	wrdreg $0xC0  }
0xab: {  	_ =	task [dreg:s6], $0x5FFFF  }
0xac: {  	[dreg:$0x1] =	wrdreg $0xFFFFFFFF  }
0xad: {  	[dreg:$0x0] =	wrdreg $0x60  }
0xae: {  	[dreg:$0x2] =	wrdreg s24  }
0xaf: {  	[dreg:$0x3] =	wrdreg $0xA8000  }
0xb0: {  	[dreg:$0x4] =	wrdreg $0x9  }
0xb1: {  	_ =	task.clear_ibuf [dreg:s6], $0x5FFFF;
	_ =	strace $0x90000049  }
0xb2: {  	s29 =	simm.s32 $0x9;
	_ =	strace $0x8000004B  }
0xb3: {  	_ =	swait.ge [sflag:s29], $0x1  }
0xb4: {  	[sflag:s29] =	ssyncadd.s32 $0xFFFFFFFF  }
0xb5: {  	_ =	strace $0x9000004B  }
0xb6: {  	_ =	sfence  }
0xb7: {  	s30 =	sld [smem:$0x0];
	_ =	sdelay $0x2  }
0xb8: {  	s31 =	sshll.u32 s1, $0xD;
	s1 =	sshrl.u32 s1, $0x2  }
0xb9: {  	s3 =	sand.u32 $0x4000, s31;
	s1 =	sadd.s32 s1, s30  }
0xba: {  	s0 =	sor.u32 s3, s0;
	s1 =	sshll.u32 s1, $0x11  }
0xbb: {  	s0 =	sor.u32 s1, s0  }
0xbc: {  	s0 =	sadd.s32 $0x8F2B, s0  }
0xbd: {  	[sflag:s0] =	ssyncadd.remote.s32 $0x1  }
0xbe: {  	_ =	sfence.sel $0xFFFF  }
0xbf: {  	[dreg:$0x0] =	wrdreg $0xFFFFFFFF;
	(pc) =	sbr.abs _section_cstart, $3  }
0xc0: {  	[dreg:$0x1] =	wrdreg $0xFFFFFFFF  }
0xc1: {  	_ =	task.clear_ibuf [dreg:s6], $0x2FFFF;
	_ =	strace $0x9FFFFFFF  }
0xc2: {  	(tm) =	ssettm $0x7FFFFFFF  }
0xc3: {  	_ =	shalt  }
tec
execute0_lowered:
.L_overlay_start_1:
0x0: {  	(tag) =	ssettag $0x1  }
0x1: {  	s5 =	rddreg [dreg:$0x0]  }
0x2: {  	s1 =	rddreg [dreg:$0x1]  }
0x3: {  	s0 =	rddreg [dreg:$0x2];
	s3 =	simm.s32 $0x0;
	s4 =	srdreg.scid  }
0x4: {  	s2 =	stileid.u32;
	s14 =	simm.s32 $0x50;
	s15 =	simm.s32 $0x8000  }
0x5: {  	s16 =	simm.s32 $0x1;
	s17 =	simm.s32 $0x0;
	[smem:$0x7FF] =	sst s3  }
0x6: {  	s6 =	sand.u32 $0x1, s4;
	s26 =	sshll.u32 s2, $0xC;
	s8 =	smul.u32 $0x13C00, s2  }
0x7: {  	s29 =	smul.u32 $0x4F000, s2;
	s31 =	sshll.u32 s2, $0x6;
	s7 =	sshll.u32 s6, $0xB  }
0x8: {  	_ =	strace $0x8000004A;
	s28 =	smul.u32 $0x13C000, s6;
	s6 =	ssub.s32 $0x2, s6  }
0x9: {  	s4 =	sor.u32 s7, s26;
	s10 =	sshrl.u32 s8, $0x3;
	s11 =	sshrl.u32 s6, $0x1  }
0xa: {  	s30 =	sshrl.u32 s29, $0x2;
	s9 =	sadd.s32 s4, s5;
	s4 =	sadd.s32 $0x3B800, s5  }
0xb: {  	s7 =	sadd.s32 s8, s28;
	s10 =	sadd.s32 s10, s5;
	s11 =	ssub.s32 s6, s11  }
0xc: {  	s13 =	sadd.s32 s30, s1;
	s7 =	sshrl.u32 s7, $0x3;
	s6 =	sadd.s32 $0x8A800, s9  }
0xd: {  	s13 =	sshrl.u32 s13, $0x3;
	s12 =	sadd.s32 s7, s5;
	s5 =	sadd.s32 $0x4000, s9  }
0xe: {  	s7 =	sadd.s32 $0x10FE00, s10;
	s9 =	smax.u32 s11, $0x1;
	s10 =	simm.s32 $0x2  }
0xf: {  	s11 =	simm.s32 $0x4000;
	s8 =	sadd.s32 $0x137600, s12;
	s12 =	sor.u32 $0x1C02, s31  }
.LBB2_1:
0x10: {  	[tilespmem:s3], [sflag:$0x2] =	stream.linear.gather [hbm4b:s5+s3], $0x3E80, $0x38;
	[tilespmem:$0x1E400] =	vst v63  }
0x11: {  	_ =	swait.ge [sflag:s10], $0x3E80  }
0x12: {  	[sflag:s10] =	ssyncset.done $0x0  }
0x13: {  	[sflag:s10] =	ssyncadd.s32 $0xFFFFC180  }
0x14: {  	[tilespmem:s11], [sflag:$0x2] =	stream.linear.gather [hbm4b:s6+s3], $0x3E80, $0x38;
	[tilespmem:$0x1E400] =	vst v63  }
0x15: {  	_ =	swait.ge [sflag:s10], $0x3E80  }
0x16: {  	[sflag:s10] =	ssyncset.done $0x0  }
0x17: {  	[sflag:s10] =	ssyncadd.s32 $0xFFFFC180  }
0x18: {  	[spmem:s13], [sflag:s12] =	dma.local [hbm:s7], $0x2780  }
0x19: {  	_ =	swait.ge [sflag:s10], $0x2780  }
0x1a: {  	[sflag:s10] =	ssyncset.done $0x0  }
0x1b: {  	[sflag:s10] =	ssyncadd.s32 $0xFFFFD880  }
0x1c: {  	s18 =	simm.s32 $0x4000;
	[bflag:$0x0] =	sbarrier.arrive $0xFFFF  }
0x1d: {  	[tilespmem:s15], [sflag:$0x1] =	stream.indirect.gather [hbm4b:s4+s14], $0x80, s18, s14, $0xb8;
	[tilespmem:$0x1E400] =	vst v63  }
0x1e: {  	_ =	swait.ge [sflag:s16], $0x2800  }
0x1f: {  	[sflag:s16] =	ssyncset.done $0x0  }
0x20: {  	s31 =	simm.s32 $0x0;
	[sflag:s16] =	ssyncadd.s32 $0xFFFFD800  }
0x21: {  	[spmem:s1] =	stream.indirect.scatter.add.f32 [tilespmem:s15], [sflag:$0x2], $0x80, s31, s14, $0xb8;
	[tilespmem:$0x1E400] =	vst v63  }
0x22: {  	_ =	swait.ge [sflag:s10], $0x2800  }
0x23: {  	s19 =	simm.s32 $0x400;
	s18 =	simm.s32 $0x80;
	[sflag:s10] =	ssyncset.done $0x0  }
.LBB2_2:
0x24: {  	s20 =	sadd.s32 $0x4000, s18  }
0x25: {  	[sflag:s10] =	ssyncadd.s32 $0xFFFFD800;
	s21 =	smov.u32 s19;
	s22 =	sadd.s32 $0x200, s19  }
0x26: {  	[tilespmem:s15], [sflag:$0x1] =	stream.indirect.gather [hbm4b:s4+s14], $0x80, s20, s14, $0xb8;
	[tilespmem:$0x1E400] =	vst v63  }
0x27: {  	p0 =	sne.s32 s19, $0xF800;
	_ =	swait.ge [sflag:s16], $0x2800  }
.Ltmp0:
0x28: {  	[sflag:s16] =	ssyncset.done $0x0;
	(pc) =	sbr.rel @p0 .LBB2_2-.Ltmp0, $4  }
0x29: {  	[sflag:s16] =	ssyncadd.s32 $0xFFFFD800  }
0x2a: {  	[spmem:s1] =	stream.indirect.scatter.add.f32 [tilespmem:s15], [sflag:$0x2], $0x80, s18, s14, $0xb8;
	[tilespmem:$0x1E400] =	vst v63  }
0x2b: {  	_ =	swait.ge [sflag:s10], $0x2800  }
0x2c: {  	s19 =	smov.u32 s22;
	s18 =	sshra.s32 s21, $0x2;
	[sflag:s10] =	ssyncset.done $0x0  }
0x2d: {  	s19 =	sadd.s32 $0x4000, s18;
	[sflag:s10] =	ssyncadd.s32 $0xFFFFD800  }
0x2e: {  	[tilespmem:s15], [sflag:$0x1] =	stream.indirect.gather [hbm4b:s4+s14], $0x80, s19, s14, $0xb8;
	[tilespmem:$0x1E400] =	vst v63  }
0x2f: {  	_ =	swait.ge [sflag:s16], $0x2800  }
0x30: {  	[sflag:s16] =	ssyncset.done $0x0  }
0x31: {  	[sflag:s16] =	ssyncadd.s32 $0xFFFFD800  }
0x32: {  	[spmem:s1] =	stream.indirect.scatter.add.f32 [tilespmem:s15], [sflag:$0x2], $0x80, s18, s14, $0xb8;
	[tilespmem:$0x1E400] =	vst v63  }
0x33: {  	_ =	swait.ge [sflag:s10], $0x2800  }
0x34: {  	s17 =	sadd.s32 $0x1, s17;
	[sflag:s10] =	ssyncset.done $0x0  }
0x35: {  	p0 =	sne.s32 s17, s9;
	[sflag:s10] =	ssyncadd.s32 $0xFFFFD800  }
.Ltmp1:
0x36: {  	[bflag:$0x0] =	sbarrier.arrive $0xFFFF;
	(pc) =	sbr.rel @p0 .LBB2_1-.Ltmp1, $4  }
0x37: {  	[hbm:s8], [sflag:s12] =	dma.local [spmem:s13], $0x2780  }
0x38: {  	_ =	swait.ge [sflag:s10], $0x2780  }
0x39: {  	[sflag:s10] =	ssyncset.done $0x0  }
0x3a: {  	[sflag:s10] =	ssyncadd.s32 $0xFFFFD880  }
0x3b: {  	_ =	sfence.sel $0x180000  }
0x3c: {  	[bflag:$0x0] =	sbarrier.arrive $0xFFFF  }
0x3d: {  	p0 =	sne.s32 s2, $0x0;
	_ =	strace $0x9000004A  }
0x3e: {  	s0 =	sadd.s32 @!p0 $0x100000, s0;
	[bflag:$0x2] =	sbarrier.arrive $0xFFFF  }
0x3f: {  	[sflag:s0] =	ssyncadd.tile.s32 @!p0 $0x1;
	_ =	shalt  }
.Lfunc_end2:
_tile_overlayer_lowered:
.L_overlay_start_2:
0x40: {  	(tag) =	ssettag $0x2  }
0x41: {  	s0 =	rddreg [dreg:$0x0];
	s2 =	stileid.u32  }
0x42: {  	s1 =	rddreg [dreg:$0x1];
	p0 =	sne.s32 s2, $0x0  }
0x43: {  	s3 =	rddreg [dreg:$0x2];
	[bflag:$0x3] =	sbarrier.arrive $0xFFFF;
	s2 =	simm.s32 @!p0 $0x1C02  }
0x44: {  	[timem:s3], [sflag:s2] =	dma.local @!p0 [hbm:s0], s1  }
0x45: {  	s0 =	simm.s32 @!p0 $0x2  }
0x46: {  	_ =	swait.ge @!p0 [sflag:s0], s1  }
0x47: {  	s1 =	ssub.s32 @!p0 $0x0, s1;
	[sflag:s0] =	ssyncset.done @!p0 $0x0  }
0x48: {  	[sflag:s0] =	ssyncadd.s32 @!p0 s1  }
0x49: {  	[bflag:$0x3] =	sbarrier.arrive $0xFFFF  }
0x4a: {  	_ =	shalt  }

// kernel: kernel.15.cloned.1.call-start
scs
__scs_entry_jumppad:
0x0: {  	(pc) =	sbr.rel $0x88, $3  }
0x1: {  	(tag) =	ssettag $0x0;
	lr =	simm.s32 $0x1  }
0x2: {  	[smem:$0x3F95] =	sst lr;
	_ =	strace $0xD0000000  }
0x3: {  	_ = 	snop  }
0x4: {  	_ = 	snop  }
0x5: {  	_ = 	snop  }
0x6: {  	_ = 	snop  }
0x7: {  	_ = 	snop  }
__scs_overlays_trampoline_lowered:
0x8: {  	[smem:$0x3FA4] =	sst s0  }
0x9: {  	[smem:$0x3FA5] =	sst s1  }
0xa: {  	[smem:$0x3FA6] =	sst s2  }
0xb: {  	[smem:$0x3FA7] =	sst s3  }
0xc: {  	[smem:$0x3FA8] =	sst s4  }
0xd: {  	[smem:$0x3FA9] =	sst s5  }
0xe: {  	[smem:$0x3FAA] =	sst s6  }
0xf: {  	[smem:$0x3FAB] =	sst s7  }
0x10: {  	[smem:$0x3FAC] =	sst s8  }
0x11: {  	[smem:$0x3FAD] =	sst s9;
	s0 =	simm.s32 @!p0 $0x0  }
0x12: {  	s1 =	sld [smem:$0x3F93];
	s0 =	simm.s32 @p0 $0x1  }
0x13: {  	[smem:$0x3FAE] =	sst s0;
	s0 =	simm.s32 @!p1 $0x0  }
0x14: {  	s2 =	sld [smem:$0x3F92];
	s0 =	simm.s32 @p1 $0x1  }
0x15: {  	[smem:$0x3FAF] =	sst s0;
	s0 =	simm.s32 @!p2 $0x0  }
0x16: {  	s3 =	sld [smem:$0x3FDB];
	s0 =	simm.s32 @p2 $0x1  }
0x17: {  	s4 =	simm.s32 $0x1BF5;
	[smem:$0x3FB1] =	sst s0  }
0x18: {  	s0 =	sld [smem:$0x3F94];
	_ =	swait.ge [sflag:s4], $0x0  }
0x19: {  	s7 =	sld [smem:$0x3F95]  }
0x1a: {  	s8 =	sadd.s32 $0xFFFFE003, lr  }
0x1b: {  	s9 =	sadd.s32 $0xFFFFFEF7, lr;
	s5 =	simm.s32 $0xFFFFFFFF;
	p2 =	slt.u32 s8, $0xFFFFF086  }
0x1c: {  	p1 =	slt.u32 s9, $0xF7A;
	s5 =	simm.s32 @!p2 $0x0  }
0x1d: {  	s5 =	simm.s32 @p1 $0x1;
	p0 =	seq.s32 s7, s2  }
0x1e: {  	s7 =	smul.u32 @!p0 $0xF7A, s2;
	p2 =	seq.s32 @!p0 s5, $0x0  }
0x1f: {  	s9 =	smul.u32 $0xF7A, s1;
	s8 =	simm.s32 @!p0 $0x1BF5;
	p2 =	por !p2, p0  }
0x20: {  	[sflag:s8] =	ssyncset.s32 @!p0 $0xFFFFF086;
	s6 =	sadd.s32 @!p0 s3, s7;
	s7 =	simm.s32 @!p0 $0x108  }
0x21: {  	s3 =	sadd.s32 s3, s9;
	s6 =	sadd.s32 @!p0 $0x88, s6;
	s7 =	simm.s32 @p2 $0x1082  }
0x22: {  	[simem:s7], [sflag:s8] =	dma.local @!p0 [hbm:s6], $0xF7A  }
0x23: {  	s9 =	sor.u32 $0xD0000000, s2;
	s6 =	simm.s32 $0x108;
	_ =	swait.ge @!p0 [sflag:s8], $0x0  }
0x24: {  	s3 =	sadd.s32 $0x88, s3;
	s6 =	simm.s32 @!p1 $0x1082;
	[sflag:s4] =	ssyncset.s32 $0xFFFFF086  }
0x25: {  	[simem:s6], [sflag:s4] =	dma.local [hbm:s3], $0xF7A  }
0x26: {  	[smem:$0x3F95] =	sst s1;
	(tag) =	ssettag s2;
	_ =	strace s9  }
0x27: {  	s1 =	sld [smem:$0x3FA5]  }
0x28: {  	s2 =	sld [smem:$0x3FA6]  }
0x29: {  	s4 =	sld [smem:$0x3FA8]  }
0x2a: {  	p0 =	seq.s32 s5, $0x0;
	s5 =	sld [smem:$0x3FA9]  }
0x2b: {  	s6 =	sld [smem:$0x3FAA]  }
0x2c: {  	s7 =	sld [smem:$0x3FAB]  }
0x2d: {  	s3 =	simm.s32 $0x108;
	s8 =	sld [smem:$0x3FAC]  }
0x2e: {  	s3 =	simm.s32 @!p0 $0x1082;
	s9 =	sld [smem:$0x3FAD]  }
0x2f: {  	lr =	sadd.s32 s0, s3;
	s0 =	sld [smem:$0x3FA4]  }
0x30: {  	s3 =	sld [smem:$0x3FA7]  }
0x31: {  	[smem:$0x3FB0] =	sst s10  }
0x32: {  	s10 =	sld [smem:$0x3FAE];
	_ =	sdelay $0x3  }
0x33: {  	p0 =	seq.s32 s10, $0x1;
	s10 =	sld [smem:$0x3FB0];
	_ =	sdelay $0x3  }
0x34: {  	[smem:$0x3FB0] =	sst s10  }
0x35: {  	s10 =	sld [smem:$0x3FAF];
	_ =	sdelay $0x3  }
0x36: {  	p1 =	seq.s32 s10, $0x1;
	s10 =	sld [smem:$0x3FB0];
	_ =	sdelay $0x3  }
0x37: {  	[smem:$0x3FB0] =	sst s10  }
0x38: {  	s10 =	sld [smem:$0x3FB1]  }
0x39: {  	_ = 	snop;
	(pc) =	sbr.ind lr, $3  }
0x3a: {  	_ = 	snop  }
0x3b: {  	_ = 	snop  }
0x3c: {  	p2 =	seq.s32 s10, $0x1;
	s10 =	sld [smem:$0x3FB0]  }
0x3d: {  	_ =	shalt  }
0x3e: {  	_ =	shalt  }
0x3f: {  	_ =	shalt  }
0x40: {  	_ =	shalt  }
0x41: {  	_ =	shalt  }
0x42: {  	_ =	shalt  }
0x43: {  	_ =	shalt  }
0x44: {  	_ =	shalt  }
0x45: {  	_ =	shalt  }
0x46: {  	_ =	shalt  }
0x47: {  	_ =	shalt  }
0x48: {  	_ =	shalt  }
0x49: {  	_ =	shalt  }
0x4a: {  	_ =	shalt  }
0x4b: {  	_ =	shalt  }
0x4c: {  	_ =	shalt  }
0x4d: {  	_ =	shalt  }
0x4e: {  	_ =	shalt  }
0x4f: {  	_ =	shalt  }
0x50: {  	_ =	shalt  }
0x51: {  	_ =	shalt  }
0x52: {  	_ =	shalt  }
0x53: {  	_ =	shalt  }
0x54: {  	_ =	shalt  }
0x55: {  	_ =	shalt  }
0x56: {  	_ =	shalt  }
0x57: {  	_ =	shalt  }
0x58: {  	_ =	shalt  }
0x59: {  	_ =	shalt  }
0x5a: {  	_ =	shalt  }
0x5b: {  	_ =	shalt  }
0x5c: {  	_ =	shalt  }
0x5d: {  	_ =	shalt  }
0x5e: {  	_ =	shalt  }
0x5f: {  	_ =	shalt  }
0x60: {  	_ =	shalt  }
0x61: {  	_ =	shalt  }
0x62: {  	_ =	shalt  }
0x63: {  	_ =	shalt  }
0x64: {  	_ =	shalt  }
0x65: {  	_ =	shalt  }
0x66: {  	_ =	shalt  }
0x67: {  	_ =	shalt  }
0x68: {  	_ =	shalt  }
0x69: {  	_ =	shalt  }
0x6a: {  	_ =	shalt  }
0x6b: {  	_ =	shalt  }
0x6c: {  	_ =	shalt  }
0x6d: {  	_ =	shalt  }
0x6e: {  	_ =	shalt  }
0x6f: {  	_ =	shalt  }
0x70: {  	_ =	shalt  }
0x71: {  	_ =	shalt  }
0x72: {  	_ =	shalt  }
0x73: {  	_ =	shalt  }
0x74: {  	_ =	shalt  }
0x75: {  	_ =	shalt  }
0x76: {  	_ =	shalt  }
0x77: {  	_ =	shalt  }
0x78: {  	_ =	shalt  }
0x79: {  	_ =	shalt  }
0x7a: {  	_ =	shalt  }
0x7b: {  	_ =	shalt  }
0x7c: {  	_ =	shalt  }
0x7d: {  	_ =	shalt  }
0x7e: {  	_ =	shalt  }
0x7f: {  	_ =	shalt  }
0x80: {  	_ =	shalt  }
0x81: {  	_ =	shalt  }
0x82: {  	_ =	shalt  }
0x83: {  	_ =	shalt  }
0x84: {  	_ =	shalt  }
0x85: {  	_ =	shalt  }
0x86: {  	_ =	shalt  }
0x87: {  	_ =	shalt  }
.Lfunc_end0:
.L_simem_size_0:
called_computation.2_lowered:
.L_overlay_start_0:
0x88: {  	s2 =	sld [smem:$0x3FD9]  }
0x89: {  	s3 =	sld [smem:$0x3FFE];
	_ =	sdelay $0x1  }
0x8a: {  	s1 =	srdreg.scid  }
0x8b: {  	s0 =	sand.u32 $0x1, s1  }
0x8c: {  	s16 =	sshll.u32 s0, $0xA;
	s2 =	sadd.s32 s3, s2  }
0x8d: {  	s2 =	sadd.s32 s2, s16  }
0x8e: {  	[smem:$0x3FBC] =	sst s2  }
0x8f: {  	_ = 	snop  }
0x90: {  	(tm) =	ssettm $0x1  }
0x91: {  	s17 =	sld [smem:$0x3FFB];
	_ =	sdelay $0x3  }
0x92: {  	_ =	strace s17  }
0x93: {  	s2 =	sld [smem:$0x3FFC];
	_ =	sdelay $0x3  }
0x94: {  	_ =	strace s2  }
0x95: {  	s2 =	sld [smem:$0x3FFD];
	_ =	sdelay $0x3  }
0x96: {  	_ =	strace s2  }
0x97: {  	_ =	strace $0x8FFFFFFF  }
0x98: {  	s18 =	sld [smem:$0x3FDB];
	_ =	sdelay $0x1  }
0x99: {  	s19 =	simm.s32 $_scs_section_size  }
0x9a: {  	s4 =	simm.s32 $_size__tile_overlayer_lowered;
	s5 =	simm.s32 $_tile_overlayer_lowered  }
0x9b: {  	s22 =	simm.s32 $0x1BFF;
	s21 =	sshll.u32 s5, $0x1;
	s2 =	sadd.s32 s19, s18  }
0x9c: {  	s6 =	simm.s32 $0x0;
	s20 =	sshll.u32 s4, $0x1;
	s4 =	sadd.s32 s21, s2  }
0x9d: {  	[timem:s6], [sflag:s22] =	dma.local [hbm:s4], s20  }
0x9e: {  	_ =	swait.ge [sflag:s22], s20  }
0x9f: {  	s3 =	ssub.s32 $0x0, s20;
	[sflag:s22] =	ssyncset.done $0x0  }
0xa0: {  	[sflag:s22] =	ssyncadd.s32 s3;
	_ =	sdelay $0x1  }
0xa1: {  	s23 =	simm.s32 $0x1B8B  }
0xa2: {  	_ =	swait.ge [sflag:s23], $0x1  }
0xa3: {  	[sflag:s23] =	ssyncset.done $0x0  }
0xa4: {  	s25 =	simm.s32 $0x1B8E;
	s24 =	sld [smem:$0x3FFE];
	[sflag:s23] =	ssyncadd.s32 $0xFFFFFFFF  }
0xa5: {  	s26 =	simm.s32 $execute0_lowered;
	[smem:$0x3FD2] =	sst s25  }
0xa6: {  	s4 =	sshll.u32 s26, $0x1;
	_ =	strace $0x8000004C;
	[dreg:$0x1] =	wrdreg $0xFFFFFFFF  }
0xa7: {  	s28 =	simm.s32 $_size_execute0_lowered;
	s2 =	sadd.s32 s2, s4;
	[dreg:$0x0] =	wrdreg $0x0  }
0xa8: {  	s4 =	sshll.u32 s28, $0x1;
	[dreg:$0x2] =	wrdreg s2  }
0xa9: {  	[dreg:$0x3] =	wrdreg s4  }
0xaa: {  	[dreg:$0x4] =	wrdreg $0xC0  }
0xab: {  	_ =	task [dreg:s6], $0x5FFFF  }
0xac: {  	[dreg:$0x1] =	wrdreg $0xFFFFFFFF  }
0xad: {  	[dreg:$0x0] =	wrdreg $0x60  }
0xae: {  	[dreg:$0x2] =	wrdreg s24  }
0xaf: {  	[dreg:$0x3] =	wrdreg $0xA8000  }
0xb0: {  	[dreg:$0x4] =	wrdreg $0xBBC00  }
0xb1: {  	[dreg:$0x5] =	wrdreg $0x9  }
0xb2: {  	_ =	task.clear_ibuf [dreg:s6], $0x6FFFF;
	_ =	strace $0x9000004C  }
0xb3: {  	s29 =	simm.s32 $0x9;
	_ =	strace $0x8000004E  }
0xb4: {  	_ =	swait.ge [sflag:s29], $0x1  }
0xb5: {  	[sflag:s29] =	ssyncadd.s32 $0xFFFFFFFF  }
0xb6: {  	_ =	strace $0x9000004E  }
0xb7: {  	_ =	sfence  }
0xb8: {  	s30 =	sld [smem:$0x0];
	_ =	sdelay $0x2  }
0xb9: {  	s31 =	sshll.u32 s1, $0xD;
	s1 =	sshrl.u32 s1, $0x2  }
0xba: {  	s3 =	sand.u32 $0x4000, s31;
	s1 =	sadd.s32 s1, s30  }
0xbb: {  	s0 =	sor.u32 s3, s0;
	s1 =	sshll.u32 s1, $0x11  }
0xbc: {  	s0 =	sor.u32 s1, s0  }
0xbd: {  	s0 =	sadd.s32 $0x8F2B, s0  }
0xbe: {  	[sflag:s0] =	ssyncadd.remote.s32 $0x1  }
0xbf: {  	_ =	sfence.sel $0xFFFF  }
0xc0: {  	[dreg:$0x0] =	wrdreg $0xFFFFFFFF;
	(pc) =	sbr.abs _section_cstart, $3  }
0xc1: {  	[dreg:$0x1] =	wrdreg $0xFFFFFFFF  }
0xc2: {  	_ =	task.clear_ibuf [dreg:s6], $0x2FFFF;
	_ =	strace $0x9FFFFFFF  }
0xc3: {  	(tm) =	ssettm $0x7FFFFFFF  }
tec
execute0_lowered:
.L_overlay_start_1:
0x0: {  	(tag) =	ssettag $0x1  }
0x1: {  	s5 =	rddreg [dreg:$0x0]  }
0x2: {  	s1 =	rddreg [dreg:$0x1]  }
0x3: {  	s3 =	rddreg [dreg:$0x2]  }
0x4: {  	s0 =	rddreg [dreg:$0x3];
	s4 =	simm.s32 $0x0;
	s6 =	srdreg.scid  }
0x5: {  	s2 =	stileid.u32;
	s12 =	simm.s32 $0x4000;
	s16 =	simm.s32 $0x50  }
0x6: {  	s17 =	simm.s32 $0x8000;
	s18 =	simm.s32 $0x1;
	s19 =	simm.s32 $0x0  }
0x7: {  	[smem:$0x7FF] =	sst s4;
	s6 =	sand.u32 $0x1, s6;
	s8 =	smul.u32 $0x13C00, s2  }
0x8: {  	s7 =	sshll.u32 s2, $0xC;
	s13 =	sshll.u32 s2, $0x6;
	s9 =	sshll.u32 s6, $0xB  }
0x9: {  	s10 =	smul.u32 $0x13C000, s6;
	_ =	strace $0x8000004D;
	s6 =	ssub.s32 $0x2, s6  }
0xa: {  	s13 =	sor.u32 $0x1C02, s13;
	s7 =	sor.u32 s9, s7;
	s31 =	sshrl.u32 s8, $0x3  }
0xb: {  	s11 =	sshrl.u32 s6, $0x1;
	s14 =	sadd.s32 s8, s1;
	s15 =	sadd.s32 s8, s3  }
0xc: {  	s7 =	sadd.s32 s7, s5;
	s30 =	sadd.s32 s8, s10;
	s10 =	sadd.s32 s31, s5  }
0xd: {  	s11 =	ssub.s32 s6, s11;
	s14 =	sshrl.u32 s14, $0x3;
	s15 =	sshrl.u32 s15, $0x3  }
0xe: {  	s9 =	sshrl.u32 s30, $0x3;
	s6 =	sadd.s32 $0x8A800, s7;
	s8 =	sadd.s32 $0xE8C00, s10  }
0xf: {  	s9 =	sadd.s32 s9, s5;
	s5 =	sadd.s32 $0x4000, s7;
	s7 =	sadd.s32 $0x14000, s10  }
0x10: {  	s10 =	smax.u32 s11, $0x1;
	s11 =	simm.s32 $0x2;
	s9 =	sadd.s32 $0x110400, s9  }
.LBB2_1:
0x11: {  	[tilespmem:s4], [sflag:$0x2] =	stream.linear.gather [hbm4b:s5+s4], $0x3E80, $0x38;
	[tilespmem:$0xCF80] =	vst v63  }
0x12: {  	_ =	swait.ge [sflag:s11], $0x3E80  }
0x13: {  	[sflag:s11] =	ssyncset.done $0x0  }
0x14: {  	[sflag:s11] =	ssyncadd.s32 $0xFFFFC180  }
0x15: {  	[tilespmem:s12], [sflag:$0x2] =	stream.linear.gather [hbm4b:s6+s4], $0x3E80, $0x38;
	[tilespmem:$0xCF80] =	vst v63  }
0x16: {  	_ =	swait.ge [sflag:s11], $0x3E80  }
0x17: {  	[sflag:s11] =	ssyncset.done $0x0  }
0x18: {  	[sflag:s11] =	ssyncadd.s32 $0xFFFFC180  }
0x19: {  	[spmem:s14], [sflag:s13] =	dma.local [hbm:s7], $0x2780  }
0x1a: {  	_ =	swait.ge [sflag:s11], $0x2780  }
0x1b: {  	[sflag:s11] =	ssyncset.done $0x0  }
0x1c: {  	[sflag:s11] =	ssyncadd.s32 $0xFFFFD880  }
0x1d: {  	[spmem:s15], [sflag:s13] =	dma.local [hbm:s8], $0x2780  }
0x1e: {  	_ =	swait.ge [sflag:s11], $0x2780  }
0x1f: {  	[sflag:s11] =	ssyncset.done $0x0  }
0x20: {  	[sflag:s11] =	ssyncadd.s32 $0xFFFFD880  }
0x21: {  	s20 =	simm.s32 $0x4000;
	[bflag:$0x0] =	sbarrier.arrive $0xFFFF  }
0x22: {  	[tilespmem:s17], [sflag:$0x1] =	stream.indirect.gather [spmem:s3], $0x8, s20, s16, $0xb8;
	[tilespmem:$0xCF80] =	vst v63  }
0x23: {  	_ =	swait.ge [sflag:s18], $0x280  }
0x24: {  	[sflag:s18] =	ssyncset.done $0x0  }
0x25: {  	s31 =	simm.s32 $0x0;
	[sflag:s18] =	ssyncadd.s32 $0xFFFFFD80  }
0x26: {  	[spmem:s1] =	stream.indirect.scatter.add.f32 [tilespmem:s17], [sflag:$0x2], $0x8, s31, s16, $0xb8;
	[tilespmem:$0xCF80] =	vst v63  }
0x27: {  	_ =	swait.ge [sflag:s11], $0x280  }
0x28: {  	s21 =	simm.s32 $0x400;
	s20 =	simm.s32 $0x80;
	[sflag:s11] =	ssyncset.done $0x0  }
.LBB2_2:
0x29: {  	s22 =	sadd.s32 $0x4000, s20  }
0x2a: {  	[sflag:s11] =	ssyncadd.s32 $0xFFFFFD80;
	s23 =	smov.u32 s21;
	s24 =	sadd.s32 $0x200, s21  }
0x2b: {  	[tilespmem:s17], [sflag:$0x1] =	stream.indirect.gather [spmem:s3], $0x8, s22, s16, $0xb8;
	[tilespmem:$0xCF80] =	vst v63  }
0x2c: {  	p0 =	sne.s32 s21, $0xF800;
	_ =	swait.ge [sflag:s18], $0x280  }
.Ltmp0:
0x2d: {  	[sflag:s18] =	ssyncset.done $0x0;
	(pc) =	sbr.rel @p0 .LBB2_2-.Ltmp0, $4  }
0x2e: {  	[sflag:s18] =	ssyncadd.s32 $0xFFFFFD80  }
0x2f: {  	[spmem:s1] =	stream.indirect.scatter.add.f32 [tilespmem:s17], [sflag:$0x2], $0x8, s20, s16, $0xb8;
	[tilespmem:$0xCF80] =	vst v63  }
0x30: {  	_ =	swait.ge [sflag:s11], $0x280  }
0x31: {  	s21 =	smov.u32 s24;
	s20 =	sshra.s32 s23, $0x2;
	[sflag:s11] =	ssyncset.done $0x0  }
0x32: {  	s21 =	sadd.s32 $0x4000, s20;
	[sflag:s11] =	ssyncadd.s32 $0xFFFFFD80  }
0x33: {  	[tilespmem:s17], [sflag:$0x1] =	stream.indirect.gather [spmem:s3], $0x8, s21, s16, $0xb8;
	[tilespmem:$0xCF80] =	vst v63  }
0x34: {  	_ =	swait.ge [sflag:s18], $0x280  }
0x35: {  	[sflag:s18] =	ssyncset.done $0x0  }
0x36: {  	[sflag:s18] =	ssyncadd.s32 $0xFFFFFD80  }
0x37: {  	[spmem:s1] =	stream.indirect.scatter.add.f32 [tilespmem:s17], [sflag:$0x2], $0x8, s20, s16, $0xb8;
	[tilespmem:$0xCF80] =	vst v63  }
0x38: {  	_ =	swait.ge [sflag:s11], $0x280  }
0x39: {  	s19 =	sadd.s32 $0x1, s19;
	[sflag:s11] =	ssyncset.done $0x0  }
0x3a: {  	p0 =	sne.s32 s19, s10;
	[sflag:s11] =	ssyncadd.s32 $0xFFFFFD80  }
.Ltmp1:
0x3b: {  	[bflag:$0x0] =	sbarrier.arrive $0xFFFF;
	(pc) =	sbr.rel @p0 .LBB2_1-.Ltmp1, $4  }
0x3c: {  	[hbm:s9], [sflag:s13] =	dma.local [spmem:s14], $0x2780  }
0x3d: {  	_ =	swait.ge [sflag:s11], $0x2780  }
0x3e: {  	[sflag:s11] =	ssyncset.done $0x0  }
0x3f: {  	[sflag:s11] =	ssyncadd.s32 $0xFFFFD880  }
0x40: {  	_ =	sfence.sel $0x180000  }
0x41: {  	[bflag:$0x0] =	sbarrier.arrive $0xFFFF  }
0x42: {  	p0 =	sne.s32 s2, $0x0;
	_ =	strace $0x9000004D  }
0x43: {  	s0 =	sadd.s32 @!p0 $0x100000, s0;
	[bflag:$0x2] =	sbarrier.arrive $0xFFFF  }
0x44: {  	[sflag:s0] =	ssyncadd.tile.s32 @!p0 $0x1;
	_ =	shalt  }
.Lfunc_end2:
_tile_overlayer_lowered:
.L_overlay_start_2:
0x45: {  	(tag) =	ssettag $0x2  }
0x46: {  	s0 =	rddreg [dreg:$0x0];
	s2 =	stileid.u32  }
0x47: {  	s1 =	rddreg [dreg:$0x1];
	p0 =	sne.s32 s2, $0x0  }
0x48: {  	s3 =	rddreg [dreg:$0x2];
	[bflag:$0x3] =	sbarrier.arrive $0xFFFF;
	s2 =	simm.s32 @!p0 $0x1C02  }
0x49: {  	[timem:s3], [sflag:s2] =	dma.local @!p0 [hbm:s0], s1  }
0x4a: {  	s0 =	simm.s32 @!p0 $0x2  }
0x4b: {  	_ =	swait.ge @!p0 [sflag:s0], s1  }
0x4c: {  	s1 =	ssub.s32 @!p0 $0x0, s1;
	[sflag:s0] =	ssyncset.done @!p0 $0x0  }
0x4d: {  	[sflag:s0] =	ssyncadd.s32 @!p0 s1  }
0x4e: {  	[bflag:$0x3] =	sbarrier.arrive $0xFFFF  }
0x4f: {  	_ =	shalt  }

// kernel: kernel.9.cloned.1.call-start
scs
__scs_entry_jumppad:
0x0: {  	(pc) =	sbr.rel $0x88, $3  }
0x1: {  	(tag) =	ssettag $0x0;
	lr =	simm.s32 $0x1  }
0x2: {  	[smem:$0x3F95] =	sst lr;
	_ =	strace $0xD0000000  }
0x3: {  	_ = 	snop  }
0x4: {  	_ = 	snop  }
0x5: {  	_ = 	snop  }
0x6: {  	_ = 	snop  }
0x7: {  	_ = 	snop  }
__scs_overlays_trampoline_lowered:
0x8: {  	[smem:$0x3FA4] =	sst s0  }
0x9: {  	[smem:$0x3FA5] =	sst s1  }
0xa: {  	[smem:$0x3FA6] =	sst s2  }
0xb: {  	[smem:$0x3FA7] =	sst s3  }
0xc: {  	[smem:$0x3FA8] =	sst s4  }
0xd: {  	[smem:$0x3FA9] =	sst s5  }
0xe: {  	[smem:$0x3FAA] =	sst s6  }
0xf: {  	[smem:$0x3FAB] =	sst s7  }
0x10: {  	[smem:$0x3FAC] =	sst s8  }
0x11: {  	[smem:$0x3FAD] =	sst s9;
	s0 =	simm.s32 @!p0 $0x0  }
0x12: {  	s1 =	sld [smem:$0x3F93];
	s0 =	simm.s32 @p0 $0x1  }
0x13: {  	[smem:$0x3FAE] =	sst s0;
	s0 =	simm.s32 @!p1 $0x0  }
0x14: {  	s2 =	sld [smem:$0x3F92];
	s0 =	simm.s32 @p1 $0x1  }
0x15: {  	[smem:$0x3FAF] =	sst s0;
	s0 =	simm.s32 @!p2 $0x0  }
0x16: {  	s3 =	sld [smem:$0x3FDB];
	s0 =	simm.s32 @p2 $0x1  }
0x17: {  	s4 =	simm.s32 $0x1BF5;
	[smem:$0x3FB1] =	sst s0  }
0x18: {  	s0 =	sld [smem:$0x3F94];
	_ =	swait.ge [sflag:s4], $0x0  }
0x19: {  	s7 =	sld [smem:$0x3F95]  }
0x1a: {  	s8 =	sadd.s32 $0xFFFFE003, lr  }
0x1b: {  	s9 =	sadd.s32 $0xFFFFFEF7, lr;
	s5 =	simm.s32 $0xFFFFFFFF;
	p2 =	slt.u32 s8, $0xFFFFF086  }
0x1c: {  	p1 =	slt.u32 s9, $0xF7A;
	s5 =	simm.s32 @!p2 $0x0  }
0x1d: {  	s5 =	simm.s32 @p1 $0x1;
	p0 =	seq.s32 s7, s2  }
0x1e: {  	s7 =	smul.u32 @!p0 $0xF7A, s2;
	p2 =	seq.s32 @!p0 s5, $0x0  }
0x1f: {  	s9 =	smul.u32 $0xF7A, s1;
	s8 =	simm.s32 @!p0 $0x1BF5;
	p2 =	por !p2, p0  }
0x20: {  	[sflag:s8] =	ssyncset.s32 @!p0 $0xFFFFF086;
	s6 =	sadd.s32 @!p0 s3, s7;
	s7 =	simm.s32 @!p0 $0x108  }
0x21: {  	s3 =	sadd.s32 s3, s9;
	s6 =	sadd.s32 @!p0 $0x88, s6;
	s7 =	simm.s32 @p2 $0x1082  }
0x22: {  	[simem:s7], [sflag:s8] =	dma.local @!p0 [hbm:s6], $0xF7A  }
0x23: {  	s9 =	sor.u32 $0xD0000000, s2;
	s6 =	simm.s32 $0x108;
	_ =	swait.ge @!p0 [sflag:s8], $0x0  }
0x24: {  	s3 =	sadd.s32 $0x88, s3;
	s6 =	simm.s32 @!p1 $0x1082;
	[sflag:s4] =	ssyncset.s32 $0xFFFFF086  }
0x25: {  	[simem:s6], [sflag:s4] =	dma.local [hbm:s3], $0xF7A  }
0x26: {  	[smem:$0x3F95] =	sst s1;
	(tag) =	ssettag s2;
	_ =	strace s9  }
0x27: {  	s1 =	sld [smem:$0x3FA5]  }
0x28: {  	s2 =	sld [smem:$0x3FA6]  }
0x29: {  	s4 =	sld [smem:$0x3FA8]  }
0x2a: {  	p0 =	seq.s32 s5, $0x0;
	s5 =	sld [smem:$0x3FA9]  }
0x2b: {  	s6 =	sld [smem:$0x3FAA]  }
0x2c: {  	s7 =	sld [smem:$0x3FAB]  }
0x2d: {  	s3 =	simm.s32 $0x108;
	s8 =	sld [smem:$0x3FAC]  }
0x2e: {  	s3 =	simm.s32 @!p0 $0x1082;
	s9 =	sld [smem:$0x3FAD]  }
0x2f: {  	lr =	sadd.s32 s0, s3;
	s0 =	sld [smem:$0x3FA4]  }
0x30: {  	s3 =	sld [smem:$0x3FA7]  }
0x31: {  	[smem:$0x3FB0] =	sst s10  }
0x32: {  	s10 =	sld [smem:$0x3FAE];
	_ =	sdelay $0x3  }
0x33: {  	p0 =	seq.s32 s10, $0x1;
	s10 =	sld [smem:$0x3FB0];
	_ =	sdelay $0x3  }
0x34: {  	[smem:$0x3FB0] =	sst s10  }
0x35: {  	s10 =	sld [smem:$0x3FAF];
	_ =	sdelay $0x3  }
0x36: {  	p1 =	seq.s32 s10, $0x1;
	s10 =	sld [smem:$0x3FB0];
	_ =	sdelay $0x3  }
0x37: {  	[smem:$0x3FB0] =	sst s10  }
0x38: {  	s10 =	sld [smem:$0x3FB1]  }
0x39: {  	_ = 	snop;
	(pc) =	sbr.ind lr, $3  }
0x3a: {  	_ = 	snop  }
0x3b: {  	_ = 	snop  }
0x3c: {  	p2 =	seq.s32 s10, $0x1;
	s10 =	sld [smem:$0x3FB0]  }
0x3d: {  	_ =	shalt  }
0x3e: {  	_ =	shalt  }
0x3f: {  	_ =	shalt  }
0x40: {  	_ =	shalt  }
0x41: {  	_ =	shalt  }
0x42: {  	_ =	shalt  }
0x43: {  	_ =	shalt  }
0x44: {  	_ =	shalt  }
0x45: {  	_ =	shalt  }
0x46: {  	_ =	shalt  }
0x47: {  	_ =	shalt  }
0x48: {  	_ =	shalt  }
0x49: {  	_ =	shalt  }
0x4a: {  	_ =	shalt  }
0x4b: {  	_ =	shalt  }
0x4c: {  	_ =	shalt  }
0x4d: {  	_ =	shalt  }
0x4e: {  	_ =	shalt  }
0x4f: {  	_ =	shalt  }
0x50: {  	_ =	shalt  }
0x51: {  	_ =	shalt  }
0x52: {  	_ =	shalt  }
0x53: {  	_ =	shalt  }
0x54: {  	_ =	shalt  }
0x55: {  	_ =	shalt  }
0x56: {  	_ =	shalt  }
0x57: {  	_ =	shalt  }
0x58: {  	_ =	shalt  }
0x59: {  	_ =	shalt  }
0x5a: {  	_ =	shalt  }
0x5b: {  	_ =	shalt  }
0x5c: {  	_ =	shalt  }
0x5d: {  	_ =	shalt  }
0x5e: {  	_ =	shalt  }
0x5f: {  	_ =	shalt  }
0x60: {  	_ =	shalt  }
0x61: {  	_ =	shalt  }
0x62: {  	_ =	shalt  }
0x63: {  	_ =	shalt  }
0x64: {  	_ =	shalt  }
0x65: {  	_ =	shalt  }
0x66: {  	_ =	shalt  }
0x67: {  	_ =	shalt  }
0x68: {  	_ =	shalt  }
0x69: {  	_ =	shalt  }
0x6a: {  	_ =	shalt  }
0x6b: {  	_ =	shalt  }
0x6c: {  	_ =	shalt  }
0x6d: {  	_ =	shalt  }
0x6e: {  	_ =	shalt  }
0x6f: {  	_ =	shalt  }
0x70: {  	_ =	shalt  }
0x71: {  	_ =	shalt  }
0x72: {  	_ =	shalt  }
0x73: {  	_ =	shalt  }
0x74: {  	_ =	shalt  }
0x75: {  	_ =	shalt  }
0x76: {  	_ =	shalt  }
0x77: {  	_ =	shalt  }
0x78: {  	_ =	shalt  }
0x79: {  	_ =	shalt  }
0x7a: {  	_ =	shalt  }
0x7b: {  	_ =	shalt  }
0x7c: {  	_ =	shalt  }
0x7d: {  	_ =	shalt  }
0x7e: {  	_ =	shalt  }
0x7f: {  	_ =	shalt  }
0x80: {  	_ =	shalt  }
0x81: {  	_ =	shalt  }
0x82: {  	_ =	shalt  }
0x83: {  	_ =	shalt  }
0x84: {  	_ =	shalt  }
0x85: {  	_ =	shalt  }
0x86: {  	_ =	shalt  }
0x87: {  	_ =	shalt  }
.Lfunc_end0:
.L_simem_size_0:
called_computation_lowered:
.L_overlay_start_0:
0x88: {  	s2 =	sld [smem:$0x3FD9]  }
0x89: {  	s3 =	sld [smem:$0x3FFE];
	_ =	sdelay $0x1  }
0x8a: {  	s1 =	srdreg.scid  }
0x8b: {  	s0 =	sand.u32 $0x1, s1  }
0x8c: {  	s17 =	sshll.u32 s0, $0xA;
	s2 =	sadd.s32 s3, s2  }
0x8d: {  	s2 =	sadd.s32 s2, s17  }
0x8e: {  	[smem:$0x3FBC] =	sst s2  }
0x8f: {  	_ = 	snop  }
0x90: {  	s2 =	sld [smem:$0x3FD0];
	(tm) =	ssettm $0x1  }
0x91: {  	s18 =	sld [smem:$0x3FFB];
	_ =	sdelay $0x3  }
0x92: {  	_ =	strace s18  }
0x93: {  	s3 =	sld [smem:$0x3FFC];
	_ =	sdelay $0x3  }
0x94: {  	_ =	strace s3  }
0x95: {  	s3 =	sld [smem:$0x3FFD];
	_ =	sdelay $0x3  }
0x96: {  	_ =	strace s3  }
0x97: {  	_ =	strace $0x8FFFFFFF  }
0x98: {  	s19 =	sld [smem:$0x3FDB];
	_ =	sdelay $0x1  }
0x99: {  	s4 =	simm.s32 $_scs_section_size  }
0x9a: {  	s5 =	simm.s32 $_size__tile_overlayer_lowered;
	s6 =	simm.s32 $_tile_overlayer_lowered  }
0x9b: {  	s22 =	simm.s32 $0x1BFF;
	s21 =	sshll.u32 s6, $0x1;
	s3 =	sadd.s32 s4, s19  }
0x9c: {  	s7 =	simm.s32 $0x0;
	s20 =	sshll.u32 s5, $0x1;
	s5 =	sadd.s32 s21, s3  }
0x9d: {  	[timem:s7], [sflag:s22] =	dma.local [hbm:s5], s20  }
0x9e: {  	_ =	swait.ge [sflag:s22], s20  }
0x9f: {  	s4 =	ssub.s32 $0x0, s20;
	[sflag:s22] =	ssyncset.done $0x0  }
0xa0: {  	[sflag:s22] =	ssyncadd.s32 s4;
	_ =	sdelay $0x1  }
0xa1: {  	s23 =	simm.s32 $0x1B8B  }
0xa2: {  	_ =	swait.ge [sflag:s23], $0x1  }
0xa3: {  	[sflag:s23] =	ssyncset.done $0x0  }
0xa4: {  	s25 =	simm.s32 $0x1B8E;
	s24 =	sld [smem:$0x3FFE];
	[sflag:s23] =	ssyncadd.s32 $0xFFFFFFFF  }
0xa5: {  	s26 =	simm.s32 $execute0_lowered;
	[smem:$0x3FD2] =	sst s25  }
0xa6: {  	s5 =	sshll.u32 s26, $0x1;
	_ =	strace $0x80000046;
	[dreg:$0x1] =	wrdreg $0xFFFFFFFF  }
0xa7: {  	s28 =	simm.s32 $_size_execute0_lowered;
	s3 =	sadd.s32 s3, s5;
	[dreg:$0x0] =	wrdreg $0x0  }
0xa8: {  	s5 =	sshll.u32 s28, $0x1;
	[dreg:$0x2] =	wrdreg s3  }
0xa9: {  	[dreg:$0x3] =	wrdreg s5  }
0xaa: {  	[dreg:$0x4] =	wrdreg $0xC0  }
0xab: {  	_ =	task [dreg:s7], $0x5FFFF  }
0xac: {  	[dreg:$0x1] =	wrdreg $0xFFFFFFFF  }
0xad: {  	[dreg:$0x0] =	wrdreg $0x60  }
0xae: {  	[dreg:$0x2] =	wrdreg s24  }
0xaf: {  	[dreg:$0x3] =	wrdreg s2  }
0xb0: {  	[dreg:$0x4] =	wrdreg $0x68000  }
0xb1: {  	[dreg:$0x5] =	wrdreg $0x9  }
0xb2: {  	_ =	task.clear_ibuf [dreg:s7], $0x6FFFF;
	_ =	strace $0x90000046  }
0xb3: {  	s29 =	simm.s32 $0x9;
	_ =	strace $0x80000048  }
0xb4: {  	_ =	swait.ge [sflag:s29], $0x1  }
0xb5: {  	[sflag:s29] =	ssyncadd.s32 $0xFFFFFFFF  }
0xb6: {  	_ =	strace $0x90000048  }
0xb7: {  	_ =	sfence  }
0xb8: {  	s30 =	sld [smem:$0x0];
	_ =	sdelay $0x2  }
0xb9: {  	s31 =	sshll.u32 s1, $0xD;
	s1 =	sshrl.u32 s1, $0x2  }
0xba: {  	s3 =	sand.u32 $0x4000, s31;
	s1 =	sadd.s32 s1, s30  }
0xbb: {  	s0 =	sor.u32 s3, s0;
	s1 =	sshll.u32 s1, $0x11  }
0xbc: {  	s0 =	sor.u32 s1, s0  }
0xbd: {  	s0 =	sadd.s32 $0x8F2B, s0  }
0xbe: {  	[sflag:s0] =	ssyncadd.remote.s32 $0x1  }
0xbf: {  	_ =	sfence.sel $0xFFFF  }
0xc0: {  	[dreg:$0x0] =	wrdreg $0xFFFFFFFF;
	(pc) =	sbr.abs _section_cstart, $3  }
0xc1: {  	[dreg:$0x1] =	wrdreg $0xFFFFFFFF  }
0xc2: {  	_ =	task.clear_ibuf [dreg:s7], $0x2FFFF;
	_ =	strace $0x9FFFFFFF  }
0xc3: {  	(tm) =	ssettm $0x7FFFFFFF  }
tec
execute0_lowered:
.L_overlay_start_1:
0x0: {  	(tag) =	ssettag $0x1  }
0x1: {  	s5 =	rddreg [dreg:$0x0]  }
0x2: {  	s2 =	rddreg [dreg:$0x1]  }
0x3: {  	s3 =	rddreg [dreg:$0x2]  }
0x4: {  	s0 =	rddreg [dreg:$0x3];
	s6 =	srdreg.scid  }
0x5: {  	s1 =	stileid.u32;
	s4 =	simm.s32 $0x0;
	s14 =	simm.s32 $0x0  }
0x6: {  	s6 =	sand.u32 $0x1, s6;
	s7 =	smul.u32 $0x13C00, s1;
	[smem:$0x7FF] =	sst s4  }
0x7: {  	s26 =	smul.u32 $0x4F000, s1;
	s11 =	sshll.u32 s1, $0xC;
	s31 =	sshll.u32 s1, $0x6  }
0x8: {  	s8 =	smul.u32 $0x13C000, s6;
	_ =	strace $0x80000047;
	s9 =	sshll.u32 s6, $0xB  }
0x9: {  	s6 =	ssub.s32 $0x2, s6;
	s10 =	sshrl.u32 s7, $0x3;
	s9 =	sadd.s32 s9, s5  }
0xa: {  	s28 =	sshrl.u32 s6, $0x1;
	s30 =	sshrl.u32 s26, $0x2;
	s10 =	sadd.s32 s10, s5  }
0xb: {  	s7 =	sadd.s32 s7, s8;
	s12 =	ssub.s32 s6, s28;
	s29 =	sadd.s32 s11, s9  }
0xc: {  	s13 =	sadd.s32 s30, s3;
	s9 =	simm.s32 $0x1;
	s11 =	sor.u32 $0x1C01, s31  }
0xd: {  	s7 =	sshrl.u32 s7, $0x3;
	s6 =	sadd.s32 $0x14000, s10;
	s8 =	smax.u32 s12, $0x1  }
0xe: {  	s10 =	simm.s32 $0x4000;
	s12 =	sshrl.u32 s13, $0x3;
	s7 =	sadd.s32 s7, s5  }
0xf: {  	s13 =	simm.s32 $0x50;
	s5 =	sadd.s32 $0x4000, s29;
	s7 =	sadd.s32 $0x3B800, s7  }
.LBB2_1:
0x10: {  	[tilespmem:s4], [sflag:$0x1] =	stream.linear.gather [hbm4b:s5+s4], $0x3E80, $0x38;
	[tilespmem:$0x7BC0] =	vst v63  }
0x11: {  	_ =	swait.ge [sflag:s9], $0x3E80  }
0x12: {  	[sflag:s9] =	ssyncset.done $0x0  }
0x13: {  	[sflag:s9] =	ssyncadd.s32 $0xFFFFC180  }
0x14: {  	[tilespmem:s10], [sflag:$0x1] =	stream.linear.gather [hbm4b:s2+s4], $0x2800, $0x38;
	[tilespmem:$0x7BC0] =	vst v63  }
0x15: {  	_ =	swait.ge [sflag:s9], $0x2800  }
0x16: {  	[sflag:s9] =	ssyncset.done $0x0  }
0x17: {  	[sflag:s9] =	ssyncadd.s32 $0xFFFFD800  }
0x18: {  	[spmem:s12], [sflag:s11] =	dma.local [hbm:s6], $0x2780  }
0x19: {  	_ =	swait.ge [sflag:s9], $0x2780  }
0x1a: {  	[sflag:s9] =	ssyncset.done $0x0  }
0x1b: {  	[sflag:s9] =	ssyncadd.s32 $0xFFFFD880  }
0x1c: {  	s15 =	simm.s32 $0x0;
	[bflag:$0x0] =	sbarrier.arrive $0xFFFF  }
0x1d: {  	[spmem:s3] =	stream.indirect.scatter.add.f32 [tilespmem:s10], [sflag:$0x1], $0x8, s15, s13, $0xb8;
	[tilespmem:$0x7BC0] =	vst v63  }
0x1e: {  	_ =	swait.ge [sflag:s9], $0x280  }
0x1f: {  	s15 =	simm.s32 $0x200;
	[sflag:s9] =	ssyncset.done $0x0  }
.LBB2_2:
0x20: {  	s16 =	sshra.s32 s15, $0x2;
	[sflag:s9] =	ssyncadd.s32 $0xFFFFFD80;
	p0 =	sne.s32 s15, $0xF800  }
0x21: {  	[spmem:s3] =	stream.indirect.scatter.add.f32 [tilespmem:s10], [sflag:$0x1], $0x8, s16, s13, $0xb8;
	[tilespmem:$0x7BC0] =	vst v63  }
.Ltmp0:
0x22: {  	_ = 	snop;
	(pc) =	sbr.rel @p0 .LBB2_2-.Ltmp0, $4  }
0x23: {  	_ = 	snop  }
0x24: {  	s15 =	sadd.s32 $0x200, s15  }
0x25: {  	_ =	swait.ge [sflag:s9], $0x280  }
0x26: {  	[sflag:s9] =	ssyncset.done $0x0  }
0x27: {  	s14 =	sadd.s32 $0x1, s14  }
0x28: {  	[sflag:s9] =	ssyncadd.s32 $0xFFFFFD80;
	p0 =	sne.s32 s14, s8  }
.Ltmp1:
0x29: {  	[bflag:$0x0] =	sbarrier.arrive $0xFFFF;
	(pc) =	sbr.rel @p0 .LBB2_1-.Ltmp1, $4  }
0x2a: {  	[hbm:s7], [sflag:s11] =	dma.local [spmem:s12], $0x2780  }
0x2b: {  	_ =	swait.ge [sflag:s9], $0x2780  }
0x2c: {  	[sflag:s9] =	ssyncset.done $0x0  }
0x2d: {  	[sflag:s9] =	ssyncadd.s32 $0xFFFFD880  }
0x2e: {  	_ =	sfence.sel $0x180000  }
0x2f: {  	[bflag:$0x0] =	sbarrier.arrive $0xFFFF  }
0x30: {  	p0 =	sne.s32 s1, $0x0;
	_ =	strace $0x90000047  }
0x31: {  	s0 =	sadd.s32 @!p0 $0x100000, s0;
	[bflag:$0x2] =	sbarrier.arrive $0xFFFF  }
0x32: {  	[sflag:s0] =	ssyncadd.tile.s32 @!p0 $0x1;
	_ =	shalt  }
.Lfunc_end2:
_tile_overlayer_lowered:
.L_overlay_start_2:
0x33: {  	(tag) =	ssettag $0x2  }
0x34: {  	s0 =	rddreg [dreg:$0x0];
	s2 =	stileid.u32  }
0x35: {  	s1 =	rddreg [dreg:$0x1];
	p0 =	sne.s32 s2, $0x0  }
0x36: {  	s3 =	rddreg [dreg:$0x2];
	[bflag:$0x3] =	sbarrier.arrive $0xFFFF;
	s2 =	simm.s32 @!p0 $0x1C01  }
0x37: {  	[timem:s3], [sflag:s2] =	dma.local @!p0 [hbm:s0], s1  }
0x38: {  	s0 =	simm.s32 @!p0 $0x1  }
0x39: {  	_ =	swait.ge @!p0 [sflag:s0], s1  }
0x3a: {  	s1 =	ssub.s32 @!p0 $0x0, s1;
	[sflag:s0] =	ssyncset.done @!p0 $0x0  }
0x3b: {  	[sflag:s0] =	ssyncadd.s32 @!p0 s1  }
0x3c: {  	[bflag:$0x3] =	sbarrier.arrive $0xFFFF  }
0x3d: {  	_ =	shalt  }

</sc_bundles>
